<compile_context>
chip_gen: v7x
topology: tpu7x:2x2x1
jax: 0.10.2.dev20260603
libtpu: 0.0.44.dev20260713+nightly
codegen_flags: <defaults>
</compile_context>

<pallas_src>
import functools

import jax
import jax.numpy as jnp
from jax import lax
from jax.experimental import pallas as pl
from jax.experimental.pallas import tpu as pltpu
from jax.experimental.pallas import tpu_sc as plsc

N = 10000
E = 320000
D = 128
NC = 2
NS = 16
NW = NC * NS
K = 128
NCH = E // K
MAXI = (NCH + NW - 1) // NW
LOOPN = ((MAXI + 3) // 4) * 4
NP = 10240
RPT = NP // NS


def _sc_body(x_hbm, eidx_hbm, zrow_hbm, zdeg_hbm,
             part_hbm, deg_hbm,
             i0, i1, i2, i3, r0, r1, deg_v, acc_sh,
             is0, is1, is2, is3, gs0, gs1):
    c = lax.axis_index("c")
    s = lax.axis_index("s")
    wid = c * NS + s
    rbase = s * RPT
    nch = jnp.where(wid < NCH % NW, MAXI, MAXI - 1)

    ibufs = (i0, i1, i2, i3)
    isems = (is0, is1, is2, is3)
    rbufs = (r0, r1)
    gsems = (gs0, gs1)

    pltpu.sync_copy(zrow_hbm, acc_sh.at[pl.ds(rbase, RPT)])
    pltpu.sync_copy(zdeg_hbm, deg_v)
    plsc.subcore_barrier()

    one16 = jnp.ones((16,), jnp.float32)

    def chunk_of(i):
        return wid + i * NW

    for j in range(4):
        pltpu.async_copy(eidx_hbm.at[chunk_of(j)], ibufs[j], isems[j])
    for j in range(2):
        pltpu.make_async_copy(eidx_hbm.at[chunk_of(j)], ibufs[j],
                              isems[j]).wait()
        pltpu.async_copy(x_hbm.at[ibufs[j].at[0]], rbufs[j], gsems[j])

    def outer(g, carry):
        for b in range(4):
            i = g * 4 + b
            rb = ibufs[b]
            rr = rbufs[b % 2]

            @pl.when(i < nch)
            def _():
                pltpu.make_async_copy(x_hbm.at[rb.at[0]], rr,
                                      gsems[b % 2]).wait()
                pltpu.sync_copy(rr, acc_sh.at[rb.at[1]], add=True)
                for j in range(K // 16):
                    dj = rb[1, pl.ds(j * 16, 16)]
                    plsc.addupdate_scatter(deg_v, [dj], one16)

            @pl.when(i + 4 < nch)
            def _():
                pltpu.async_copy(eidx_hbm.at[chunk_of(i + 4)], rb, isems[b])

            @pl.when(i + 2 < nch)
            def _():
                nb = ibufs[(b + 2) % 4]
                pltpu.make_async_copy(eidx_hbm.at[chunk_of(i + 2)], nb,
                                      isems[(b + 2) % 4]).wait()
                pltpu.async_copy(x_hbm.at[nb.at[0]], rr, gsems[b % 2])

        return carry

    lax.fori_loop(0, LOOPN // 4, outer, 0)
    plsc.subcore_barrier()

    pltpu.sync_copy(acc_sh.at[pl.ds(rbase, RPT)],
                    part_hbm.at[c, pl.ds(rbase, RPT)])
    pltpu.sync_copy(deg_v, deg_hbm.at[wid])


_sc_aggregate = functools.partial(
    pl.kernel,
    out_type=(
        jax.ShapeDtypeStruct((NC, NP, D), jnp.float32),
        jax.ShapeDtypeStruct((NW, NP), jnp.float32),
    ),
    mesh=plsc.VectorSubcoreMesh(core_axis_name="c", subcore_axis_name="s",
                                num_cores=NC, num_subcores=NS),
    compiler_params=pltpu.CompilerParams(needs_layout_passes=False),
    scratch_types=(
        pltpu.VMEM((2, K), jnp.int32),
        pltpu.VMEM((2, K), jnp.int32),
        pltpu.VMEM((2, K), jnp.int32),
        pltpu.VMEM((2, K), jnp.int32),
        pltpu.VMEM((K, D), jnp.float32),
        pltpu.VMEM((K, D), jnp.float32),
        pltpu.VMEM((NP,), jnp.float32),
        pltpu.VMEM_SHARED((NP, D), jnp.float32),
        pltpu.SemaphoreType.DMA,
        pltpu.SemaphoreType.DMA,
        pltpu.SemaphoreType.DMA,
        pltpu.SemaphoreType.DMA,
        pltpu.SemaphoreType.DMA,
        pltpu.SemaphoreType.DMA,
    ),
)(_sc_body)


def _tc_body(x_ref, p0_ref, p1_ref, deg_ref, w_ref, b_ref, o_ref):
    x = x_ref[...]
    psum = p0_ref[...] + p1_ref[...]
    dn = (((1,), (1,)), ((), ()))
    ones_w = jnp.ones((1, NW), jnp.float32)
    degcol = lax.dot_general(deg_ref[...], ones_w,
                             (((1,), (1,)), ((), ())),
                             preferred_element_type=jnp.float32)
    neigh = psum * (1.0 / jnp.maximum(degcol, 1.0))
    wl = w_ref[:, :D]
    wr = w_ref[:, D:]
    out = (lax.dot_general(x, wl, dn, preferred_element_type=jnp.float32)
           + lax.dot_general(neigh, wr, dn, preferred_element_type=jnp.float32)
           + b_ref[...])
    ss = jnp.sum(out * out, axis=1, keepdims=True)
    o_ref[...] = out / jnp.maximum(jnp.sqrt(ss), 1e-12)


BR = 1000


def _tc_finish(x, p0, p1, deg, W, b2):
    return pl.pallas_call(
        _tc_body,
        grid=(N // BR,),
        in_specs=[
            pl.BlockSpec((BR, D), lambda i: (i, 0)),
            pl.BlockSpec((BR, D), lambda i: (i, 0)),
            pl.BlockSpec((BR, D), lambda i: (i, 0)),
            pl.BlockSpec((BR, NW), lambda i: (i, 0)),
            pl.BlockSpec((D, 2 * D), lambda i: (0, 0)),
            pl.BlockSpec((1, D), lambda i: (0, 0)),
        ],
        out_specs=pl.BlockSpec((BR, D), lambda i: (i, 0)),
        out_shape=jax.ShapeDtypeStruct((N, D), jnp.float32),
    )(x, p0, p1, deg, W, b2)


def kernel(x, edge_index, W, b):
    ei = edge_index.astype(jnp.int32)
    eidx = jnp.transpose(ei.reshape(2, NCH, K), (1, 0, 2))
    zrow = jnp.zeros((RPT, D), jnp.float32)
    zdeg = jnp.zeros((NP,), jnp.float32)
    part, deg = _sc_aggregate(x, eidx, zrow, zdeg)
    deg_t = deg.T
    return _tc_finish(x, part[0], part[1], deg_t, W, b.reshape(1, D))

# --- scband reference (transcript-rebuilt; emitter-appended) ---
"""Pipeline reference for scband-sageconv-manual-352187319164 (READ-ONLY COPY).

The authoritative reference and input builder live on the scoring server;
editing this copy changes nothing except your own understanding.
"""

import jax, jax.numpy as jnp
import numpy as np

N_NODES = 10000
N_EDGES = 320000
D_IN = 128
D_OUT = 128


def setup_inputs(seed: int = 0) -> dict:
    key = jax.random.key(seed)
    k1, k2, k3, k4 = jax.random.split(key, 4)
    x = jax.random.normal(k1, (N_NODES, D_IN), dtype=jnp.float32)
    edge_index = jax.random.randint(k2, (2, N_EDGES), 0, N_NODES, dtype=jnp.int64)
    # Linear(2*in_ch, out_ch): W [out, 2*in], b [out], torch default init
    bound = 1.0 / np.sqrt(2 * D_IN)
    W = jax.random.uniform(k3, (D_OUT, 2 * D_IN), minval=-bound, maxval=bound, dtype=jnp.float32)
    b = jax.random.uniform(k4, (D_OUT,), minval=-bound, maxval=bound, dtype=jnp.float32)
    return {"x": x, "edge_index": edge_index, "W": W, "b": b}


def reference(x, edge_index, W, b):
    src = edge_index[0]
    dst = edge_index[1]
    n = x.shape[0]
    # mean aggregation: scatter-add neighbor features by dst, divide by degree
    gathered = jnp.take(x, src, axis=0)                      # gather  [E, d]
    neigh = jax.ops.segment_sum(gathered, dst, num_segments=n)  # scatter-add
    deg = jax.ops.segment_sum(jnp.ones((dst.shape[0],), dtype=x.dtype), dst, num_segments=n)
    neigh = neigh / jnp.clip(deg, 1.0, None)[:, None]
    h = jnp.concatenate([x, neigh], axis=-1)
    out = h @ W.T + b
    # F.normalize(p=2, dim=-1, eps=1e-12)
    norm = jnp.linalg.norm(out, ord=2, axis=-1, keepdims=True)
    out = out / jnp.maximum(norm, 1e-12)
    return out

if __name__ == "__main__":
    import jax
    _d = setup_inputs()
    print(jax.jit(kernel)(*tuple(_d.values())))

</pallas_src>

<mosaic_0001>
#map = affine_map<(d0, d1) -> (0, 0)>
#map1 = affine_map<(d0, d1) -> (0, 0, 0)>
#map2 = affine_map<(d0, d1) -> (0)>
module attributes {stable_mosaic.version = 14 : i64} {
  func.func @_sc_body(%arg0: i32, %arg1: i32, %arg2: memref<10000x128xf32, #tpu.memory_space<hbm>>, %arg3: memref<2500x2x128xi32, #tpu.memory_space<hbm>>, %arg4: memref<640x128xf32, #tpu.memory_space<hbm>>, %arg5: memref<10240xf32, #tpu.memory_space<hbm>>, %arg6: memref<2x10240x128xf32, #tpu.memory_space<hbm>>, %arg7: memref<32x10240xf32, #tpu.memory_space<hbm>>, %arg8: memref<2x128xi32, #tpu.memory_space<vmem>>, %arg9: memref<2x128xi32, #tpu.memory_space<vmem>>, %arg10: memref<2x128xi32, #tpu.memory_space<vmem>>, %arg11: memref<2x128xi32, #tpu.memory_space<vmem>>, %arg12: memref<128x128xf32, #tpu.memory_space<vmem>>, %arg13: memref<128x128xf32, #tpu.memory_space<vmem>>, %arg14: memref<10240xf32, #tpu.memory_space<vmem>>, %arg15: memref<10240x128xf32, #tpu.memory_space<vmem_shared>>, %arg16: memref<!tpu.dma_semaphore, #tpu.memory_space<semaphore_mem>>, %arg17: memref<!tpu.dma_semaphore, #tpu.memory_space<semaphore_mem>>, %arg18: memref<!tpu.dma_semaphore, #tpu.memory_space<semaphore_mem>>, %arg19: memref<!tpu.dma_semaphore, #tpu.memory_space<semaphore_mem>>, %arg20: memref<!tpu.dma_semaphore, #tpu.memory_space<semaphore_mem>>, %arg21: memref<!tpu.dma_semaphore, #tpu.memory_space<semaphore_mem>>) attributes {dimension_semantics = [#tpu.dimension_semantics<core_parallel>, #tpu.dimension_semantics<subcore_parallel>], iteration_bounds = array<i64: 2, 16>, scalar_prefetch = 0 : i64, scratch_operands = 14 : i64, tpu.core_type = #tpu.core_type<sc_vector_subcore>, window_params = [{transform_indices = #map}, {transform_indices = #map1}, {transform_indices = #map}, {transform_indices = #map2}, {transform_indices = #map1}, {transform_indices = #map}]} {
    %mul3A = arith.constant 16 : i32
    %mul3A_0 = arith.muli %arg0, %mul3A : i32
    %add3A = arith.addi %mul3A_0, %arg1 : i32
    %mul3A_1 = arith.constant 640 : i32
    %mul3A_2 = arith.muli %arg1, %mul3A_1 : i32
    %lt3A = arith.constant 4 : i32
    %lt3A_3 = arith.cmpi slt, %add3A, %lt3A : i32
    %jit3A = arith.constant 79 : i32
    %jit3A_4 = arith.constant 78 : i32
    %select_n3A = arith.select %lt3A_3, %jit3A, %jit3A_4 : i32
    "tpu.region"() ({
      %run_scoped3A = tpu.sem_alloc : memref<!tpu.dma_semaphore, #tpu.memory_space<semaphore_mem>>
      %dma_start3A_84 = arith.constant 0 : i32
      %dma_start3A_85 = tpu.memref_slice %arg15[%mul3A_2, %dma_start3A_84] : memref<10240x128xf32, #tpu.memory_space<vmem_shared>> -> memref<640x128xf32, #tpu.memory_space<vmem_shared>>
      tpu.enqueue_dma source(%arg4 : memref<640x128xf32, #tpu.memory_space<hbm>>) target(%dma_start3A_85 : memref<640x128xf32, #tpu.memory_space<vmem_shared>>) target_semaphore(%run_scoped3A : memref<!tpu.dma_semaphore, #tpu.memory_space<semaphore_mem>>)
      %dma_wait3A_86 = arith.constant 0 : i32
      %dma_wait3A_87 = tpu.memref_slice %arg15[%mul3A_2, %dma_wait3A_86] : memref<10240x128xf32, #tpu.memory_space<vmem_shared>> -> memref<640x128xf32, #tpu.memory_space<vmem_shared>>
      tpu.wait_dma2 semaphore(%run_scoped3A : memref<!tpu.dma_semaphore, #tpu.memory_space<semaphore_mem>>) src(%arg4 : memref<640x128xf32, #tpu.memory_space<hbm>>) dst(%dma_wait3A_87 : memref<640x128xf32, #tpu.memory_space<vmem_shared>>)
      tpu.yield
    }) : () -> ()
    "tpu.region"() ({
      %run_scoped3A = tpu.sem_alloc : memref<!tpu.dma_semaphore, #tpu.memory_space<semaphore_mem>>
      tpu.enqueue_dma source(%arg5 : memref<10240xf32, #tpu.memory_space<hbm>>) target(%arg14 : memref<10240xf32, #tpu.memory_space<vmem>>) target_semaphore(%run_scoped3A : memref<!tpu.dma_semaphore, #tpu.memory_space<semaphore_mem>>)
      tpu.wait_dma2 semaphore(%run_scoped3A : memref<!tpu.dma_semaphore, #tpu.memory_space<semaphore_mem>>) src(%arg5 : memref<10240xf32, #tpu.memory_space<hbm>>) dst(%arg14 : memref<10240xf32, #tpu.memory_space<vmem>>)
      tpu.yield
    }) : () -> ()
    %barrier3A = arith.constant 0 : index
    tpu.barrier barrier_id(%barrier3A)
    %broadcast_in_dim3A = arith.constant 1.000000e+00 : f32
    %broadcast_in_dim3A_5 = vector.broadcast %broadcast_in_dim3A : f32 to vector<16xf32>
    %add3A_6 = arith.constant 0 : i32
    %add3A_7 = arith.addi %add3A, %add3A_6 : i32
    %dma_start3A = arith.constant 0 : i32
    %dma_start3A_8 = arith.constant 0 : i32
    %dma_start3A_9 = tpu.memref_slice %arg3[%add3A_7, %dma_start3A, %dma_start3A_8] : memref<2500x2x128xi32, #tpu.memory_space<hbm>> -> memref<1x2x128xi32, #tpu.memory_space<hbm>>
    %dma_start3A_10 = tpu.memref_squeeze %dma_start3A_9 : memref<1x2x128xi32, #tpu.memory_space<hbm>> -> memref<2x128xi32, #tpu.memory_space<hbm>>
    %dma_start3A_11 = arith.constant 0 : i32
    %dma_start3A_12 = arith.constant 0 : i32
    %dma_start3A_13 = tpu.memref_slice %arg3[%add3A_7, %dma_start3A_11, %dma_start3A_12] : memref<2500x2x128xi32, #tpu.memory_space<hbm>> -> memref<1x2x128xi32, #tpu.memory_space<hbm>>
    %dma_start3A_14 = tpu.memref_squeeze %dma_start3A_13 : memref<1x2x128xi32, #tpu.memory_space<hbm>> -> memref<2x128xi32, #tpu.memory_space<hbm>>
    tpu.enqueue_dma source(%dma_start3A_14 : memref<2x128xi32, #tpu.memory_space<hbm>>) target(%arg8 : memref<2x128xi32, #tpu.memory_space<vmem>>) target_semaphore(%arg16 : memref<!tpu.dma_semaphore, #tpu.memory_space<semaphore_mem>>)
    %add3A_15 = arith.constant 32 : i32
    %add3A_16 = arith.addi %add3A, %add3A_15 : i32
    %dma_start3A_17 = arith.constant 0 : i32
    %dma_start3A_18 = arith.constant 0 : i32
    %dma_start3A_19 = tpu.memref_slice %arg3[%add3A_16, %dma_start3A_17, %dma_start3A_18] : memref<2500x2x128xi32, #tpu.memory_space<hbm>> -> memref<1x2x128xi32, #tpu.memory_space<hbm>>
    %dma_start3A_20 = tpu.memref_squeeze %dma_start3A_19 : memref<1x2x128xi32, #tpu.memory_space<hbm>> -> memref<2x128xi32, #tpu.memory_space<hbm>>
    %dma_start3A_21 = arith.constant 0 : i32
    %dma_start3A_22 = arith.constant 0 : i32
    %dma_start3A_23 = tpu.memref_slice %arg3[%add3A_16, %dma_start3A_21, %dma_start3A_22] : memref<2500x2x128xi32, #tpu.memory_space<hbm>> -> memref<1x2x128xi32, #tpu.memory_space<hbm>>
    %dma_start3A_24 = tpu.memref_squeeze %dma_start3A_23 : memref<1x2x128xi32, #tpu.memory_space<hbm>> -> memref<2x128xi32, #tpu.memory_space<hbm>>
    tpu.enqueue_dma source(%dma_start3A_24 : memref<2x128xi32, #tpu.memory_space<hbm>>) target(%arg9 : memref<2x128xi32, #tpu.memory_space<vmem>>) target_semaphore(%arg17 : memref<!tpu.dma_semaphore, #tpu.memory_space<semaphore_mem>>)
    %add3A_25 = arith.constant 64 : i32
    %add3A_26 = arith.addi %add3A, %add3A_25 : i32
    %dma_start3A_27 = arith.constant 0 : i32
    %dma_start3A_28 = arith.constant 0 : i32
    %dma_start3A_29 = tpu.memref_slice %arg3[%add3A_26, %dma_start3A_27, %dma_start3A_28] : memref<2500x2x128xi32, #tpu.memory_space<hbm>> -> memref<1x2x128xi32, #tpu.memory_space<hbm>>
    %dma_start3A_30 = tpu.memref_squeeze %dma_start3A_29 : memref<1x2x128xi32, #tpu.memory_space<hbm>> -> memref<2x128xi32, #tpu.memory_space<hbm>>
    %dma_start3A_31 = arith.constant 0 : i32
    %dma_start3A_32 = arith.constant 0 : i32
    %dma_start3A_33 = tpu.memref_slice %arg3[%add3A_26, %dma_start3A_31, %dma_start3A_32] : memref<2500x2x128xi32, #tpu.memory_space<hbm>> -> memref<1x2x128xi32, #tpu.memory_space<hbm>>
    %dma_start3A_34 = tpu.memref_squeeze %dma_start3A_33 : memref<1x2x128xi32, #tpu.memory_space<hbm>> -> memref<2x128xi32, #tpu.memory_space<hbm>>
    tpu.enqueue_dma source(%dma_start3A_34 : memref<2x128xi32, #tpu.memory_space<hbm>>) target(%arg10 : memref<2x128xi32, #tpu.memory_space<vmem>>) target_semaphore(%arg18 : memref<!tpu.dma_semaphore, #tpu.memory_space<semaphore_mem>>)
    %add3A_35 = arith.constant 96 : i32
    %add3A_36 = arith.addi %add3A, %add3A_35 : i32
    %dma_start3A_37 = arith.constant 0 : i32
    %dma_start3A_38 = arith.constant 0 : i32
    %dma_start3A_39 = tpu.memref_slice %arg3[%add3A_36, %dma_start3A_37, %dma_start3A_38] : memref<2500x2x128xi32, #tpu.memory_space<hbm>> -> memref<1x2x128xi32, #tpu.memory_space<hbm>>
    %dma_start3A_40 = tpu.memref_squeeze %dma_start3A_39 : memref<1x2x128xi32, #tpu.memory_space<hbm>> -> memref<2x128xi32, #tpu.memory_space<hbm>>
    %dma_start3A_41 = arith.constant 0 : i32
    %dma_start3A_42 = arith.constant 0 : i32
    %dma_start3A_43 = tpu.memref_slice %arg3[%add3A_36, %dma_start3A_41, %dma_start3A_42] : memref<2500x2x128xi32, #tpu.memory_space<hbm>> -> memref<1x2x128xi32, #tpu.memory_space<hbm>>
    %dma_start3A_44 = tpu.memref_squeeze %dma_start3A_43 : memref<1x2x128xi32, #tpu.memory_space<hbm>> -> memref<2x128xi32, #tpu.memory_space<hbm>>
    tpu.enqueue_dma source(%dma_start3A_44 : memref<2x128xi32, #tpu.memory_space<hbm>>) target(%arg11 : memref<2x128xi32, #tpu.memory_space<vmem>>) target_semaphore(%arg19 : memref<!tpu.dma_semaphore, #tpu.memory_space<semaphore_mem>>)
    %add3A_45 = arith.constant 0 : i32
    %add3A_46 = arith.addi %add3A, %add3A_45 : i32
    %dma_wait3A = arith.constant 0 : i32
    %dma_wait3A_47 = arith.constant 0 : i32
    %dma_wait3A_48 = tpu.memref_slice %arg3[%add3A_46, %dma_wait3A, %dma_wait3A_47] : memref<2500x2x128xi32, #tpu.memory_space<hbm>> -> memref<1x2x128xi32, #tpu.memory_space<hbm>>
    %dma_wait3A_49 = tpu.memref_squeeze %dma_wait3A_48 : memref<1x2x128xi32, #tpu.memory_space<hbm>> -> memref<2x128xi32, #tpu.memory_space<hbm>>
    %dma_wait3A_50 = arith.constant 0 : i32
    %dma_wait3A_51 = arith.constant 0 : i32
    %dma_wait3A_52 = tpu.memref_slice %arg3[%add3A_46, %dma_wait3A_50, %dma_wait3A_51] : memref<2500x2x128xi32, #tpu.memory_space<hbm>> -> memref<1x2x128xi32, #tpu.memory_space<hbm>>
    %dma_wait3A_53 = tpu.memref_squeeze %dma_wait3A_52 : memref<1x2x128xi32, #tpu.memory_space<hbm>> -> memref<2x128xi32, #tpu.memory_space<hbm>>
    tpu.wait_dma2 semaphore(%arg16 : memref<!tpu.dma_semaphore, #tpu.memory_space<semaphore_mem>>) src(%dma_wait3A_53 : memref<2x128xi32, #tpu.memory_space<hbm>>) dst(%arg8 : memref<2x128xi32, #tpu.memory_space<vmem>>)
    %dma_start3A_54 = arith.constant 0 : i32
    %dma_start3A_55 = arith.constant 0 : i32
    %dma_start3A_56 = tpu.memref_slice %arg8[%dma_start3A_54, %dma_start3A_55] : memref<2x128xi32, #tpu.memory_space<vmem>> -> memref<1x128xi32, #tpu.memory_space<vmem>>
    %dma_start3A_57 = tpu.memref_squeeze %dma_start3A_56 : memref<1x128xi32, #tpu.memory_space<vmem>> -> memref<128xi32, #tpu.memory_space<vmem>>
    %dma_start3A_58 = arith.constant 0 : i32
    %dma_start3A_59 = arith.constant 0 : i32
    %dma_start3A_60 = tpu.memref_slice %arg2[%dma_start3A_58, %dma_start3A_59] : memref<10000x128xf32, #tpu.memory_space<hbm>> -> memref<10000x128xf32, #tpu.memory_space<hbm>>
    tpu.enqueue_indirect_dma source(%dma_start3A_60 : memref<10000x128xf32, #tpu.memory_space<hbm>>) target(%arg12 : memref<128x128xf32, #tpu.memory_space<vmem>>) offsets(%dma_start3A_57 : memref<128xi32, #tpu.memory_space<vmem>>) semaphore(%arg20 : memref<!tpu.dma_semaphore, #tpu.memory_space<semaphore_mem>>)
    %add3A_61 = arith.constant 32 : i32
    %add3A_62 = arith.addi %add3A, %add3A_61 : i32
    %dma_wait3A_63 = arith.constant 0 : i32
    %dma_wait3A_64 = arith.constant 0 : i32
    %dma_wait3A_65 = tpu.memref_slice %arg3[%add3A_62, %dma_wait3A_63, %dma_wait3A_64] : memref<2500x2x128xi32, #tpu.memory_space<hbm>> -> memref<1x2x128xi32, #tpu.memory_space<hbm>>
    %dma_wait3A_66 = tpu.memref_squeeze %dma_wait3A_65 : memref<1x2x128xi32, #tpu.memory_space<hbm>> -> memref<2x128xi32, #tpu.memory_space<hbm>>
    %dma_wait3A_67 = arith.constant 0 : i32
    %dma_wait3A_68 = arith.constant 0 : i32
    %dma_wait3A_69 = tpu.memref_slice %arg3[%add3A_62, %dma_wait3A_67, %dma_wait3A_68] : memref<2500x2x128xi32, #tpu.memory_space<hbm>> -> memref<1x2x128xi32, #tpu.memory_space<hbm>>
    %dma_wait3A_70 = tpu.memref_squeeze %dma_wait3A_69 : memref<1x2x128xi32, #tpu.memory_space<hbm>> -> memref<2x128xi32, #tpu.memory_space<hbm>>
    tpu.wait_dma2 semaphore(%arg17 : memref<!tpu.dma_semaphore, #tpu.memory_space<semaphore_mem>>) src(%dma_wait3A_70 : memref<2x128xi32, #tpu.memory_space<hbm>>) dst(%arg9 : memref<2x128xi32, #tpu.memory_space<vmem>>)
    %dma_start3A_71 = arith.constant 0 : i32
    %dma_start3A_72 = arith.constant 0 : i32
    %dma_start3A_73 = tpu.memref_slice %arg9[%dma_start3A_71, %dma_start3A_72] : memref<2x128xi32, #tpu.memory_space<vmem>> -> memref<1x128xi32, #tpu.memory_space<vmem>>
    %dma_start3A_74 = tpu.memref_squeeze %dma_start3A_73 : memref<1x128xi32, #tpu.memory_space<vmem>> -> memref<128xi32, #tpu.memory_space<vmem>>
    %dma_start3A_75 = arith.constant 0 : i32
    %dma_start3A_76 = arith.constant 0 : i32
    %dma_start3A_77 = tpu.memref_slice %arg2[%dma_start3A_75, %dma_start3A_76] : memref<10000x128xf32, #tpu.memory_space<hbm>> -> memref<10000x128xf32, #tpu.memory_space<hbm>>
    tpu.enqueue_indirect_dma source(%dma_start3A_77 : memref<10000x128xf32, #tpu.memory_space<hbm>>) target(%arg13 : memref<128x128xf32, #tpu.memory_space<vmem>>) offsets(%dma_start3A_74 : memref<128xi32, #tpu.memory_space<vmem>>) semaphore(%arg21 : memref<!tpu.dma_semaphore, #tpu.memory_space<semaphore_mem>>)
    %scan3A = arith.constant 0 : i32
    %scan3A_78 = arith.constant 0 : i32
    %scan3A_79 = arith.constant 20 : i32
    %scan3A_80 = arith.addi %scan3A_78, %scan3A_79 : i32
    %scan3A_81 = arith.constant 1 : i32
    scf.for %scan3A_84 = %scan3A_78 to %scan3A_80 step %scan3A_81  : i32 {
      %mul3A_85 = arith.constant 4 : i32
      %mul3A_86 = arith.muli %scan3A_84, %mul3A_85 : i32
      %add3A_87 = arith.constant 0 : i32
      %add3A_88 = arith.addi %mul3A_86, %add3A_87 : i32
      %lt3A_89 = arith.cmpi slt, %add3A_88, %select_n3A : i32
      %convert_element_type3A = arith.extui %lt3A_89 : i1 to i32
      %cond3A = arith.constant 0 : i32
      %cond3A_90 = arith.cmpi ne, %convert_element_type3A, %cond3A : i32
      scf.if %cond3A_90 {
        %dma_wait3A_163 = arith.constant 0 : i32
        %dma_wait3A_164 = arith.constant 0 : i32
        %dma_wait3A_165 = tpu.memref_slice %arg8[%dma_wait3A_163, %dma_wait3A_164] : memref<2x128xi32, #tpu.memory_space<vmem>> -> memref<1x128xi32, #tpu.memory_space<vmem>>
        %dma_wait3A_166 = tpu.memref_squeeze %dma_wait3A_165 : memref<1x128xi32, #tpu.memory_space<vmem>> -> memref<128xi32, #tpu.memory_space<vmem>>
        %dma_wait3A_167 = arith.constant 0 : i32
        %dma_wait3A_168 = arith.constant 0 : i32
        %dma_wait3A_169 = tpu.memref_slice %arg2[%dma_wait3A_167, %dma_wait3A_168] : memref<10000x128xf32, #tpu.memory_space<hbm>> -> memref<10000x128xf32, #tpu.memory_space<hbm>>
        tpu.wait_indirect_dma semaphore(%arg20 : memref<!tpu.dma_semaphore, #tpu.memory_space<semaphore_mem>>) src(%dma_wait3A_169 : memref<10000x128xf32, #tpu.memory_space<hbm>>) dst(%arg12 : memref<128x128xf32, #tpu.memory_space<vmem>>)
        %run_scoped3A = arith.constant 1 : i32
        "tpu.region"() ({
          %run_scoped3A_201 = tpu.sem_alloc : memref<!tpu.dma_semaphore, #tpu.memory_space<semaphore_mem>>
          %dma_start3A_202 = arith.constant 0 : i32
          %dma_start3A_203 = tpu.memref_slice %arg8[%run_scoped3A, %dma_start3A_202] : memref<2x128xi32, #tpu.memory_space<vmem>> -> memref<1x128xi32, #tpu.memory_space<vmem>>
          %dma_start3A_204 = tpu.memref_squeeze %dma_start3A_203 : memref<1x128xi32, #tpu.memory_space<vmem>> -> memref<128xi32, #tpu.memory_space<vmem>>
          %dma_start3A_205 = arith.constant 0 : i32
          %dma_start3A_206 = arith.constant 0 : i32
          %dma_start3A_207 = tpu.memref_slice %arg15[%dma_start3A_205, %dma_start3A_206] : memref<10240x128xf32, #tpu.memory_space<vmem_shared>> -> memref<10240x128xf32, #tpu.memory_space<vmem_shared>>
          tpu.enqueue_indirect_dma source(%arg12 : memref<128x128xf32, #tpu.memory_space<vmem>>) target(%dma_start3A_207 : memref<10240x128xf32, #tpu.memory_space<vmem_shared>>) offsets(%dma_start3A_204 : memref<128xi32, #tpu.memory_space<vmem>>) semaphore(%run_scoped3A_201 : memref<!tpu.dma_semaphore, #tpu.memory_space<semaphore_mem>>) {add = true}
          %dma_wait3A_208 = arith.constant 0 : i32
          %dma_wait3A_209 = tpu.memref_slice %arg8[%run_scoped3A, %dma_wait3A_208] : memref<2x128xi32, #tpu.memory_space<vmem>> -> memref<1x128xi32, #tpu.memory_space<vmem>>
          %dma_wait3A_210 = tpu.memref_squeeze %dma_wait3A_209 : memref<1x128xi32, #tpu.memory_space<vmem>> -> memref<128xi32, #tpu.memory_space<vmem>>
          %dma_wait3A_211 = arith.constant 0 : i32
          %dma_wait3A_212 = arith.constant 0 : i32
          %dma_wait3A_213 = tpu.memref_slice %arg15[%dma_wait3A_211, %dma_wait3A_212] : memref<10240x128xf32, #tpu.memory_space<vmem_shared>> -> memref<10240x128xf32, #tpu.memory_space<vmem_shared>>
          tpu.wait_indirect_dma semaphore(%run_scoped3A_201 : memref<!tpu.dma_semaphore, #tpu.memory_space<semaphore_mem>>) src(%arg12 : memref<128x128xf32, #tpu.memory_space<vmem>>) dst(%dma_wait3A_213 : memref<10240x128xf32, #tpu.memory_space<vmem_shared>>)
          tpu.yield
        }) : () -> ()
        %get3A = arith.constant 1 : i32
        %get3A_170 = arith.index_cast %get3A : i32 to index
        %get3A_171 = arith.constant 0 : index
        %get3A_172 = tpu.vector_load %arg8[%get3A_170, %get3A_171] {strides = array<i32>} : memref<2x128xi32, #tpu.memory_space<vmem>>, vector<16xi32>,
        tpu.vector_store_idx %arg14[%get3A_172], %broadcast_in_dim3A_5 {add = true} : memref<10240xf32, #tpu.memory_space<vmem>>[vector<16xi32>], vector<16xf32>,
        %get3A_173 = arith.constant 1 : i32
        %get3A_174 = arith.index_cast %get3A_173 : i32 to index
        %get3A_175 = arith.constant 16 : index
        %get3A_176 = tpu.vector_load %arg8[%get3A_174, %get3A_175] {strides = array<i32>} : memref<2x128xi32, #tpu.memory_space<vmem>>, vector<16xi32>,
        tpu.vector_store_idx %arg14[%get3A_176], %broadcast_in_dim3A_5 {add = true} : memref<10240xf32, #tpu.memory_space<vmem>>[vector<16xi32>], vector<16xf32>,
        %get3A_177 = arith.constant 1 : i32
        %get3A_178 = arith.index_cast %get3A_177 : i32 to index
        %get3A_179 = arith.constant 32 : index
        %get3A_180 = tpu.vector_load %arg8[%get3A_178, %get3A_179] {strides = array<i32>} : memref<2x128xi32, #tpu.memory_space<vmem>>, vector<16xi32>,
        tpu.vector_store_idx %arg14[%get3A_180], %broadcast_in_dim3A_5 {add = true} : memref<10240xf32, #tpu.memory_space<vmem>>[vector<16xi32>], vector<16xf32>,
        %get3A_181 = arith.constant 1 : i32
        %get3A_182 = arith.index_cast %get3A_181 : i32 to index
        %get3A_183 = arith.constant 48 : index
        %get3A_184 = tpu.vector_load %arg8[%get3A_182, %get3A_183] {strides = array<i32>} : memref<2x128xi32, #tpu.memory_space<vmem>>, vector<16xi32>,
        tpu.vector_store_idx %arg14[%get3A_184], %broadcast_in_dim3A_5 {add = true} : memref<10240xf32, #tpu.memory_space<vmem>>[vector<16xi32>], vector<16xf32>,
        %get3A_185 = arith.constant 1 : i32
        %get3A_186 = arith.index_cast %get3A_185 : i32 to index
        %get3A_187 = arith.constant 64 : index
        %get3A_188 = tpu.vector_load %arg8[%get3A_186, %get3A_187] {strides = array<i32>} : memref<2x128xi32, #tpu.memory_space<vmem>>, vector<16xi32>,
        tpu.vector_store_idx %arg14[%get3A_188], %broadcast_in_dim3A_5 {add = true} : memref<10240xf32, #tpu.memory_space<vmem>>[vector<16xi32>], vector<16xf32>,
        %get3A_189 = arith.constant 1 : i32
        %get3A_190 = arith.index_cast %get3A_189 : i32 to index
        %get3A_191 = arith.constant 80 : index
        %get3A_192 = tpu.vector_load %arg8[%get3A_190, %get3A_191] {strides = array<i32>} : memref<2x128xi32, #tpu.memory_space<vmem>>, vector<16xi32>,
        tpu.vector_store_idx %arg14[%get3A_192], %broadcast_in_dim3A_5 {add = true} : memref<10240xf32, #tpu.memory_space<vmem>>[vector<16xi32>], vector<16xf32>,
        %get3A_193 = arith.constant 1 : i32
        %get3A_194 = arith.index_cast %get3A_193 : i32 to index
        %get3A_195 = arith.constant 96 : index
        %get3A_196 = tpu.vector_load %arg8[%get3A_194, %get3A_195] {strides = array<i32>} : memref<2x128xi32, #tpu.memory_space<vmem>>, vector<16xi32>,
        tpu.vector_store_idx %arg14[%get3A_196], %broadcast_in_dim3A_5 {add = true} : memref<10240xf32, #tpu.memory_space<vmem>>[vector<16xi32>], vector<16xf32>,
        %get3A_197 = arith.constant 1 : i32
        %get3A_198 = arith.index_cast %get3A_197 : i32 to index
        %get3A_199 = arith.constant 112 : index
        %get3A_200 = tpu.vector_load %arg8[%get3A_198, %get3A_199] {strides = array<i32>} : memref<2x128xi32, #tpu.memory_space<vmem>>, vector<16xi32>,
        tpu.vector_store_idx %arg14[%get3A_200], %broadcast_in_dim3A_5 {add = true} : memref<10240xf32, #tpu.memory_space<vmem>>[vector<16xi32>], vector<16xf32>,
      } else {
      }
      %add3A_91 = arith.constant 4 : i32
      %add3A_92 = arith.addi %add3A_88, %add3A_91 : i32
      %lt3A_93 = arith.cmpi slt, %add3A_92, %select_n3A : i32
      %convert_element_type3A_94 = arith.extui %lt3A_93 : i1 to i32
      %cond3A_95 = arith.constant 0 : i32
      %cond3A_96 = arith.cmpi ne, %convert_element_type3A_94, %cond3A_95 : i32
      scf.if %cond3A_96 {
        %add3A_163 = arith.constant 4 : i32
        %add3A_164 = arith.addi %add3A_88, %add3A_163 : i32
        %mul3A_165 = arith.constant 32 : i32
        %mul3A_166 = arith.muli %add3A_164, %mul3A_165 : i32
        %add3A_167 = arith.addi %add3A, %mul3A_166 : i32
        %dma_start3A_168 = arith.constant 0 : i32
        %dma_start3A_169 = arith.constant 0 : i32
        %dma_start3A_170 = tpu.memref_slice %arg3[%add3A_167, %dma_start3A_168, %dma_start3A_169] : memref<2500x2x128xi32, #tpu.memory_space<hbm>> -> memref<1x2x128xi32, #tpu.memory_space<hbm>>
        %dma_start3A_171 = tpu.memref_squeeze %dma_start3A_170 : memref<1x2x128xi32, #tpu.memory_space<hbm>> -> memref<2x128xi32, #tpu.memory_space<hbm>>
        %dma_start3A_172 = arith.constant 0 : i32
        %dma_start3A_173 = arith.constant 0 : i32
        %dma_start3A_174 = tpu.memref_slice %arg3[%add3A_167, %dma_start3A_172, %dma_start3A_173] : memref<2500x2x128xi32, #tpu.memory_space<hbm>> -> memref<1x2x128xi32, #tpu.memory_space<hbm>>
        %dma_start3A_175 = tpu.memref_squeeze %dma_start3A_174 : memref<1x2x128xi32, #tpu.memory_space<hbm>> -> memref<2x128xi32, #tpu.memory_space<hbm>>
        tpu.enqueue_dma source(%dma_start3A_175 : memref<2x128xi32, #tpu.memory_space<hbm>>) target(%arg8 : memref<2x128xi32, #tpu.memory_space<vmem>>) target_semaphore(%arg16 : memref<!tpu.dma_semaphore, #tpu.memory_space<semaphore_mem>>)
      } else {
      }
      %add3A_97 = arith.constant 2 : i32
      %add3A_98 = arith.addi %add3A_88, %add3A_97 : i32
      %lt3A_99 = arith.cmpi slt, %add3A_98, %select_n3A : i32
      %convert_element_type3A_100 = arith.extui %lt3A_99 : i1 to i32
      %cond3A_101 = arith.constant 0 : i32
      %cond3A_102 = arith.cmpi ne, %convert_element_type3A_100, %cond3A_101 : i32
      scf.if %cond3A_102 {
        %add3A_163 = arith.constant 2 : i32
        %add3A_164 = arith.addi %add3A_88, %add3A_163 : i32
        %mul3A_165 = arith.constant 32 : i32
        %mul3A_166 = arith.muli %add3A_164, %mul3A_165 : i32
        %add3A_167 = arith.addi %add3A, %mul3A_166 : i32
        %dma_wait3A_168 = arith.constant 0 : i32
        %dma_wait3A_169 = arith.constant 0 : i32
        %dma_wait3A_170 = tpu.memref_slice %arg3[%add3A_167, %dma_wait3A_168, %dma_wait3A_169] : memref<2500x2x128xi32, #tpu.memory_space<hbm>> -> memref<1x2x128xi32, #tpu.memory_space<hbm>>
        %dma_wait3A_171 = tpu.memref_squeeze %dma_wait3A_170 : memref<1x2x128xi32, #tpu.memory_space<hbm>> -> memref<2x128xi32, #tpu.memory_space<hbm>>
        %dma_wait3A_172 = arith.constant 0 : i32
        %dma_wait3A_173 = arith.constant 0 : i32
        %dma_wait3A_174 = tpu.memref_slice %arg3[%add3A_167, %dma_wait3A_172, %dma_wait3A_173] : memref<2500x2x128xi32, #tpu.memory_space<hbm>> -> memref<1x2x128xi32, #tpu.memory_space<hbm>>
        %dma_wait3A_175 = tpu.memref_squeeze %dma_wait3A_174 : memref<1x2x128xi32, #tpu.memory_space<hbm>> -> memref<2x128xi32, #tpu.memory_space<hbm>>
        tpu.wait_dma2 semaphore(%arg18 : memref<!tpu.dma_semaphore, #tpu.memory_space<semaphore_mem>>) src(%dma_wait3A_175 : memref<2x128xi32, #tpu.memory_space<hbm>>) dst(%arg10 : memref<2x128xi32, #tpu.memory_space<vmem>>)
        %dma_start3A_176 = arith.constant 0 : i32
        %dma_start3A_177 = arith.constant 0 : i32
        %dma_start3A_178 = tpu.memref_slice %arg10[%dma_start3A_176, %dma_start3A_177] : memref<2x128xi32, #tpu.memory_space<vmem>> -> memref<1x128xi32, #tpu.memory_space<vmem>>
        %dma_start3A_179 = tpu.memref_squeeze %dma_start3A_178 : memref<1x128xi32, #tpu.memory_space<vmem>> -> memref<128xi32, #tpu.memory_space<vmem>>
        %dma_start3A_180 = arith.constant 0 : i32
        %dma_start3A_181 = arith.constant 0 : i32
        %dma_start3A_182 = tpu.memref_slice %arg2[%dma_start3A_180, %dma_start3A_181] : memref<10000x128xf32, #tpu.memory_space<hbm>> -> memref<10000x128xf32, #tpu.memory_space<hbm>>
        tpu.enqueue_indirect_dma source(%dma_start3A_182 : memref<10000x128xf32, #tpu.memory_space<hbm>>) target(%arg12 : memref<128x128xf32, #tpu.memory_space<vmem>>) offsets(%dma_start3A_179 : memref<128xi32, #tpu.memory_space<vmem>>) semaphore(%arg20 : memref<!tpu.dma_semaphore, #tpu.memory_space<semaphore_mem>>)
      } else {
      }
      %mul3A_103 = arith.constant 4 : i32
      %mul3A_104 = arith.muli %scan3A_84, %mul3A_103 : i32
      %add3A_105 = arith.constant 1 : i32
      %add3A_106 = arith.addi %mul3A_104, %add3A_105 : i32
      %lt3A_107 = arith.cmpi slt, %add3A_106, %select_n3A : i32
      %convert_element_type3A_108 = arith.extui %lt3A_107 : i1 to i32
      %cond3A_109 = arith.constant 0 : i32
      %cond3A_110 = arith.cmpi ne, %convert_element_type3A_108, %cond3A_109 : i32
      scf.if %cond3A_110 {
        %dma_wait3A_163 = arith.constant 0 : i32
        %dma_wait3A_164 = arith.constant 0 : i32
        %dma_wait3A_165 = tpu.memref_slice %arg9[%dma_wait3A_163, %dma_wait3A_164] : memref<2x128xi32, #tpu.memory_space<vmem>> -> memref<1x128xi32, #tpu.memory_space<vmem>>
        %dma_wait3A_166 = tpu.memref_squeeze %dma_wait3A_165 : memref<1x128xi32, #tpu.memory_space<vmem>> -> memref<128xi32, #tpu.memory_space<vmem>>
        %dma_wait3A_167 = arith.constant 0 : i32
        %dma_wait3A_168 = arith.constant 0 : i32
        %dma_wait3A_169 = tpu.memref_slice %arg2[%dma_wait3A_167, %dma_wait3A_168] : memref<10000x128xf32, #tpu.memory_space<hbm>> -> memref<10000x128xf32, #tpu.memory_space<hbm>>
        tpu.wait_indirect_dma semaphore(%arg21 : memref<!tpu.dma_semaphore, #tpu.memory_space<semaphore_mem>>) src(%dma_wait3A_169 : memref<10000x128xf32, #tpu.memory_space<hbm>>) dst(%arg13 : memref<128x128xf32, #tpu.memory_space<vmem>>)
        %run_scoped3A = arith.constant 1 : i32
        "tpu.region"() ({
          %run_scoped3A_201 = tpu.sem_alloc : memref<!tpu.dma_semaphore, #tpu.memory_space<semaphore_mem>>
          %dma_start3A_202 = arith.constant 0 : i32
          %dma_start3A_203 = tpu.memref_slice %arg9[%run_scoped3A, %dma_start3A_202] : memref<2x128xi32, #tpu.memory_space<vmem>> -> memref<1x128xi32, #tpu.memory_space<vmem>>
          %dma_start3A_204 = tpu.memref_squeeze %dma_start3A_203 : memref<1x128xi32, #tpu.memory_space<vmem>> -> memref<128xi32, #tpu.memory_space<vmem>>
          %dma_start3A_205 = arith.constant 0 : i32
          %dma_start3A_206 = arith.constant 0 : i32
          %dma_start3A_207 = tpu.memref_slice %arg15[%dma_start3A_205, %dma_start3A_206] : memref<10240x128xf32, #tpu.memory_space<vmem_shared>> -> memref<10240x128xf32, #tpu.memory_space<vmem_shared>>
          tpu.enqueue_indirect_dma source(%arg13 : memref<128x128xf32, #tpu.memory_space<vmem>>) target(%dma_start3A_207 : memref<10240x128xf32, #tpu.memory_space<vmem_shared>>) offsets(%dma_start3A_204 : memref<128xi32, #tpu.memory_space<vmem>>) semaphore(%run_scoped3A_201 : memref<!tpu.dma_semaphore, #tpu.memory_space<semaphore_mem>>) {add = true}
          %dma_wait3A_208 = arith.constant 0 : i32
          %dma_wait3A_209 = tpu.memref_slice %arg9[%run_scoped3A, %dma_wait3A_208] : memref<2x128xi32, #tpu.memory_space<vmem>> -> memref<1x128xi32, #tpu.memory_space<vmem>>
          %dma_wait3A_210 = tpu.memref_squeeze %dma_wait3A_209 : memref<1x128xi32, #tpu.memory_space<vmem>> -> memref<128xi32, #tpu.memory_space<vmem>>
          %dma_wait3A_211 = arith.constant 0 : i32
          %dma_wait3A_212 = arith.constant 0 : i32
          %dma_wait3A_213 = tpu.memref_slice %arg15[%dma_wait3A_211, %dma_wait3A_212] : memref<10240x128xf32, #tpu.memory_space<vmem_shared>> -> memref<10240x128xf32, #tpu.memory_space<vmem_shared>>
          tpu.wait_indirect_dma semaphore(%run_scoped3A_201 : memref<!tpu.dma_semaphore, #tpu.memory_space<semaphore_mem>>) src(%arg13 : memref<128x128xf32, #tpu.memory_space<vmem>>) dst(%dma_wait3A_213 : memref<10240x128xf32, #tpu.memory_space<vmem_shared>>)
          tpu.yield
        }) : () -> ()
        %get3A = arith.constant 1 : i32
        %get3A_170 = arith.index_cast %get3A : i32 to index
        %get3A_171 = arith.constant 0 : index
        %get3A_172 = tpu.vector_load %arg9[%get3A_170, %get3A_171] {strides = array<i32>} : memref<2x128xi32, #tpu.memory_space<vmem>>, vector<16xi32>,
        tpu.vector_store_idx %arg14[%get3A_172], %broadcast_in_dim3A_5 {add = true} : memref<10240xf32, #tpu.memory_space<vmem>>[vector<16xi32>], vector<16xf32>,
        %get3A_173 = arith.constant 1 : i32
        %get3A_174 = arith.index_cast %get3A_173 : i32 to index
        %get3A_175 = arith.constant 16 : index
        %get3A_176 = tpu.vector_load %arg9[%get3A_174, %get3A_175] {strides = array<i32>} : memref<2x128xi32, #tpu.memory_space<vmem>>, vector<16xi32>,
        tpu.vector_store_idx %arg14[%get3A_176], %broadcast_in_dim3A_5 {add = true} : memref<10240xf32, #tpu.memory_space<vmem>>[vector<16xi32>], vector<16xf32>,
        %get3A_177 = arith.constant 1 : i32
        %get3A_178 = arith.index_cast %get3A_177 : i32 to index
        %get3A_179 = arith.constant 32 : index
        %get3A_180 = tpu.vector_load %arg9[%get3A_178, %get3A_179] {strides = array<i32>} : memref<2x128xi32, #tpu.memory_space<vmem>>, vector<16xi32>,
        tpu.vector_store_idx %arg14[%get3A_180], %broadcast_in_dim3A_5 {add = true} : memref<10240xf32, #tpu.memory_space<vmem>>[vector<16xi32>], vector<16xf32>,
        %get3A_181 = arith.constant 1 : i32
        %get3A_182 = arith.index_cast %get3A_181 : i32 to index
        %get3A_183 = arith.constant 48 : index
        %get3A_184 = tpu.vector_load %arg9[%get3A_182, %get3A_183] {strides = array<i32>} : memref<2x128xi32, #tpu.memory_space<vmem>>, vector<16xi32>,
        tpu.vector_store_idx %arg14[%get3A_184], %broadcast_in_dim3A_5 {add = true} : memref<10240xf32, #tpu.memory_space<vmem>>[vector<16xi32>], vector<16xf32>,
        %get3A_185 = arith.constant 1 : i32
        %get3A_186 = arith.index_cast %get3A_185 : i32 to index
        %get3A_187 = arith.constant 64 : index
        %get3A_188 = tpu.vector_load %arg9[%get3A_186, %get3A_187] {strides = array<i32>} : memref<2x128xi32, #tpu.memory_space<vmem>>, vector<16xi32>,
        tpu.vector_store_idx %arg14[%get3A_188], %broadcast_in_dim3A_5 {add = true} : memref<10240xf32, #tpu.memory_space<vmem>>[vector<16xi32>], vector<16xf32>,
        %get3A_189 = arith.constant 1 : i32
        %get3A_190 = arith.index_cast %get3A_189 : i32 to index
        %get3A_191 = arith.constant 80 : index
        %get3A_192 = tpu.vector_load %arg9[%get3A_190, %get3A_191] {strides = array<i32>} : memref<2x128xi32, #tpu.memory_space<vmem>>, vector<16xi32>,
        tpu.vector_store_idx %arg14[%get3A_192], %broadcast_in_dim3A_5 {add = true} : memref<10240xf32, #tpu.memory_space<vmem>>[vector<16xi32>], vector<16xf32>,
        %get3A_193 = arith.constant 1 : i32
        %get3A_194 = arith.index_cast %get3A_193 : i32 to index
        %get3A_195 = arith.constant 96 : index
        %get3A_196 = tpu.vector_load %arg9[%get3A_194, %get3A_195] {strides = array<i32>} : memref<2x128xi32, #tpu.memory_space<vmem>>, vector<16xi32>,
        tpu.vector_store_idx %arg14[%get3A_196], %broadcast_in_dim3A_5 {add = true} : memref<10240xf32, #tpu.memory_space<vmem>>[vector<16xi32>], vector<16xf32>,
        %get3A_197 = arith.constant 1 : i32
        %get3A_198 = arith.index_cast %get3A_197 : i32 to index
        %get3A_199 = arith.constant 112 : index
        %get3A_200 = tpu.vector_load %arg9[%get3A_198, %get3A_199] {strides = array<i32>} : memref<2x128xi32, #tpu.memory_space<vmem>>, vector<16xi32>,
        tpu.vector_store_idx %arg14[%get3A_200], %broadcast_in_dim3A_5 {add = true} : memref<10240xf32, #tpu.memory_space<vmem>>[vector<16xi32>], vector<16xf32>,
      } else {
      }
      %add3A_111 = arith.constant 4 : i32
      %add3A_112 = arith.addi %add3A_106, %add3A_111 : i32
      %lt3A_113 = arith.cmpi slt, %add3A_112, %select_n3A : i32
      %convert_element_type3A_114 = arith.extui %lt3A_113 : i1 to i32
      %cond3A_115 = arith.constant 0 : i32
      %cond3A_116 = arith.cmpi ne, %convert_element_type3A_114, %cond3A_115 : i32
      scf.if %cond3A_116 {
        %add3A_163 = arith.constant 4 : i32
        %add3A_164 = arith.addi %add3A_106, %add3A_163 : i32
        %mul3A_165 = arith.constant 32 : i32
        %mul3A_166 = arith.muli %add3A_164, %mul3A_165 : i32
        %add3A_167 = arith.addi %add3A, %mul3A_166 : i32
        %dma_start3A_168 = arith.constant 0 : i32
        %dma_start3A_169 = arith.constant 0 : i32
        %dma_start3A_170 = tpu.memref_slice %arg3[%add3A_167, %dma_start3A_168, %dma_start3A_169] : memref<2500x2x128xi32, #tpu.memory_space<hbm>> -> memref<1x2x128xi32, #tpu.memory_space<hbm>>
        %dma_start3A_171 = tpu.memref_squeeze %dma_start3A_170 : memref<1x2x128xi32, #tpu.memory_space<hbm>> -> memref<2x128xi32, #tpu.memory_space<hbm>>
        %dma_start3A_172 = arith.constant 0 : i32
        %dma_start3A_173 = arith.constant 0 : i32
        %dma_start3A_174 = tpu.memref_slice %arg3[%add3A_167, %dma_start3A_172, %dma_start3A_173] : memref<2500x2x128xi32, #tpu.memory_space<hbm>> -> memref<1x2x128xi32, #tpu.memory_space<hbm>>
        %dma_start3A_175 = tpu.memref_squeeze %dma_start3A_174 : memref<1x2x128xi32, #tpu.memory_space<hbm>> -> memref<2x128xi32, #tpu.memory_space<hbm>>
        tpu.enqueue_dma source(%dma_start3A_175 : memref<2x128xi32, #tpu.memory_space<hbm>>) target(%arg9 : memref<2x128xi32, #tpu.memory_space<vmem>>) target_semaphore(%arg17 : memref<!tpu.dma_semaphore, #tpu.memory_space<semaphore_mem>>)
      } else {
      }
      %add3A_117 = arith.constant 2 : i32
      %add3A_118 = arith.addi %add3A_106, %add3A_117 : i32
      %lt3A_119 = arith.cmpi slt, %add3A_118, %select_n3A : i32
      %convert_element_type3A_120 = arith.extui %lt3A_119 : i1 to i32
      %cond3A_121 = arith.constant 0 : i32
      %cond3A_122 = arith.cmpi ne, %convert_element_type3A_120, %cond3A_121 : i32
      scf.if %cond3A_122 {
        %add3A_163 = arith.constant 2 : i32
        %add3A_164 = arith.addi %add3A_106, %add3A_163 : i32
        %mul3A_165 = arith.constant 32 : i32
        %mul3A_166 = arith.muli %add3A_164, %mul3A_165 : i32
        %add3A_167 = arith.addi %add3A, %mul3A_166 : i32
        %dma_wait3A_168 = arith.constant 0 : i32
        %dma_wait3A_169 = arith.constant 0 : i32
        %dma_wait3A_170 = tpu.memref_slice %arg3[%add3A_167, %dma_wait3A_168, %dma_wait3A_169] : memref<2500x2x128xi32, #tpu.memory_space<hbm>> -> memref<1x2x128xi32, #tpu.memory_space<hbm>>
        %dma_wait3A_171 = tpu.memref_squeeze %dma_wait3A_170 : memref<1x2x128xi32, #tpu.memory_space<hbm>> -> memref<2x128xi32, #tpu.memory_space<hbm>>
        %dma_wait3A_172 = arith.constant 0 : i32
        %dma_wait3A_173 = arith.constant 0 : i32
        %dma_wait3A_174 = tpu.memref_slice %arg3[%add3A_167, %dma_wait3A_172, %dma_wait3A_173] : memref<2500x2x128xi32, #tpu.memory_space<hbm>> -> memref<1x2x128xi32, #tpu.memory_space<hbm>>
        %dma_wait3A_175 = tpu.memref_squeeze %dma_wait3A_174 : memref<1x2x128xi32, #tpu.memory_space<hbm>> -> memref<2x128xi32, #tpu.memory_space<hbm>>
        tpu.wait_dma2 semaphore(%arg19 : memref<!tpu.dma_semaphore, #tpu.memory_space<semaphore_mem>>) src(%dma_wait3A_175 : memref<2x128xi32, #tpu.memory_space<hbm>>) dst(%arg11 : memref<2x128xi32, #tpu.memory_space<vmem>>)
        %dma_start3A_176 = arith.constant 0 : i32
        %dma_start3A_177 = arith.constant 0 : i32
        %dma_start3A_178 = tpu.memref_slice %arg11[%dma_start3A_176, %dma_start3A_177] : memref<2x128xi32, #tpu.memory_space<vmem>> -> memref<1x128xi32, #tpu.memory_space<vmem>>
        %dma_start3A_179 = tpu.memref_squeeze %dma_start3A_178 : memref<1x128xi32, #tpu.memory_space<vmem>> -> memref<128xi32, #tpu.memory_space<vmem>>
        %dma_start3A_180 = arith.constant 0 : i32
        %dma_start3A_181 = arith.constant 0 : i32
        %dma_start3A_182 = tpu.memref_slice %arg2[%dma_start3A_180, %dma_start3A_181] : memref<10000x128xf32, #tpu.memory_space<hbm>> -> memref<10000x128xf32, #tpu.memory_space<hbm>>
        tpu.enqueue_indirect_dma source(%dma_start3A_182 : memref<10000x128xf32, #tpu.memory_space<hbm>>) target(%arg13 : memref<128x128xf32, #tpu.memory_space<vmem>>) offsets(%dma_start3A_179 : memref<128xi32, #tpu.memory_space<vmem>>) semaphore(%arg21 : memref<!tpu.dma_semaphore, #tpu.memory_space<semaphore_mem>>)
      } else {
      }
      %mul3A_123 = arith.constant 4 : i32
      %mul3A_124 = arith.muli %scan3A_84, %mul3A_123 : i32
      %add3A_125 = arith.constant 2 : i32
      %add3A_126 = arith.addi %mul3A_124, %add3A_125 : i32
      %lt3A_127 = arith.cmpi slt, %add3A_126, %select_n3A : i32
      %convert_element_type3A_128 = arith.extui %lt3A_127 : i1 to i32
      %cond3A_129 = arith.constant 0 : i32
      %cond3A_130 = arith.cmpi ne, %convert_element_type3A_128, %cond3A_129 : i32
      scf.if %cond3A_130 {
        %dma_wait3A_163 = arith.constant 0 : i32
        %dma_wait3A_164 = arith.constant 0 : i32
        %dma_wait3A_165 = tpu.memref_slice %arg10[%dma_wait3A_163, %dma_wait3A_164] : memref<2x128xi32, #tpu.memory_space<vmem>> -> memref<1x128xi32, #tpu.memory_space<vmem>>
        %dma_wait3A_166 = tpu.memref_squeeze %dma_wait3A_165 : memref<1x128xi32, #tpu.memory_space<vmem>> -> memref<128xi32, #tpu.memory_space<vmem>>
        %dma_wait3A_167 = arith.constant 0 : i32
        %dma_wait3A_168 = arith.constant 0 : i32
        %dma_wait3A_169 = tpu.memref_slice %arg2[%dma_wait3A_167, %dma_wait3A_168] : memref<10000x128xf32, #tpu.memory_space<hbm>> -> memref<10000x128xf32, #tpu.memory_space<hbm>>
        tpu.wait_indirect_dma semaphore(%arg20 : memref<!tpu.dma_semaphore, #tpu.memory_space<semaphore_mem>>) src(%dma_wait3A_169 : memref<10000x128xf32, #tpu.memory_space<hbm>>) dst(%arg12 : memref<128x128xf32, #tpu.memory_space<vmem>>)
        %run_scoped3A = arith.constant 1 : i32
        "tpu.region"() ({
          %run_scoped3A_201 = tpu.sem_alloc : memref<!tpu.dma_semaphore, #tpu.memory_space<semaphore_mem>>
          %dma_start3A_202 = arith.constant 0 : i32
          %dma_start3A_203 = tpu.memref_slice %arg10[%run_scoped3A, %dma_start3A_202] : memref<2x128xi32, #tpu.memory_space<vmem>> -> memref<1x128xi32, #tpu.memory_space<vmem>>
          %dma_start3A_204 = tpu.memref_squeeze %dma_start3A_203 : memref<1x128xi32, #tpu.memory_space<vmem>> -> memref<128xi32, #tpu.memory_space<vmem>>
          %dma_start3A_205 = arith.constant 0 : i32
          %dma_start3A_206 = arith.constant 0 : i32
          %dma_start3A_207 = tpu.memref_slice %arg15[%dma_start3A_205, %dma_start3A_206] : memref<10240x128xf32, #tpu.memory_space<vmem_shared>> -> memref<10240x128xf32, #tpu.memory_space<vmem_shared>>
          tpu.enqueue_indirect_dma source(%arg12 : memref<128x128xf32, #tpu.memory_space<vmem>>) target(%dma_start3A_207 : memref<10240x128xf32, #tpu.memory_space<vmem_shared>>) offsets(%dma_start3A_204 : memref<128xi32, #tpu.memory_space<vmem>>) semaphore(%run_scoped3A_201 : memref<!tpu.dma_semaphore, #tpu.memory_space<semaphore_mem>>) {add = true}
          %dma_wait3A_208 = arith.constant 0 : i32
          %dma_wait3A_209 = tpu.memref_slice %arg10[%run_scoped3A, %dma_wait3A_208] : memref<2x128xi32, #tpu.memory_space<vmem>> -> memref<1x128xi32, #tpu.memory_space<vmem>>
          %dma_wait3A_210 = tpu.memref_squeeze %dma_wait3A_209 : memref<1x128xi32, #tpu.memory_space<vmem>> -> memref<128xi32, #tpu.memory_space<vmem>>
          %dma_wait3A_211 = arith.constant 0 : i32
          %dma_wait3A_212 = arith.constant 0 : i32
          %dma_wait3A_213 = tpu.memref_slice %arg15[%dma_wait3A_211, %dma_wait3A_212] : memref<10240x128xf32, #tpu.memory_space<vmem_shared>> -> memref<10240x128xf32, #tpu.memory_space<vmem_shared>>
          tpu.wait_indirect_dma semaphore(%run_scoped3A_201 : memref<!tpu.dma_semaphore, #tpu.memory_space<semaphore_mem>>) src(%arg12 : memref<128x128xf32, #tpu.memory_space<vmem>>) dst(%dma_wait3A_213 : memref<10240x128xf32, #tpu.memory_space<vmem_shared>>)
          tpu.yield
        }) : () -> ()
        %get3A = arith.constant 1 : i32
        %get3A_170 = arith.index_cast %get3A : i32 to index
        %get3A_171 = arith.constant 0 : index
        %get3A_172 = tpu.vector_load %arg10[%get3A_170, %get3A_171] {strides = array<i32>} : memref<2x128xi32, #tpu.memory_space<vmem>>, vector<16xi32>,
        tpu.vector_store_idx %arg14[%get3A_172], %broadcast_in_dim3A_5 {add = true} : memref<10240xf32, #tpu.memory_space<vmem>>[vector<16xi32>], vector<16xf32>,
        %get3A_173 = arith.constant 1 : i32
        %get3A_174 = arith.index_cast %get3A_173 : i32 to index
        %get3A_175 = arith.constant 16 : index
        %get3A_176 = tpu.vector_load %arg10[%get3A_174, %get3A_175] {strides = array<i32>} : memref<2x128xi32, #tpu.memory_space<vmem>>, vector<16xi32>,
        tpu.vector_store_idx %arg14[%get3A_176], %broadcast_in_dim3A_5 {add = true} : memref<10240xf32, #tpu.memory_space<vmem>>[vector<16xi32>], vector<16xf32>,
        %get3A_177 = arith.constant 1 : i32
        %get3A_178 = arith.index_cast %get3A_177 : i32 to index
        %get3A_179 = arith.constant 32 : index
        %get3A_180 = tpu.vector_load %arg10[%get3A_178, %get3A_179] {strides = array<i32>} : memref<2x128xi32, #tpu.memory_space<vmem>>, vector<16xi32>,
        tpu.vector_store_idx %arg14[%get3A_180], %broadcast_in_dim3A_5 {add = true} : memref<10240xf32, #tpu.memory_space<vmem>>[vector<16xi32>], vector<16xf32>,
        %get3A_181 = arith.constant 1 : i32
        %get3A_182 = arith.index_cast %get3A_181 : i32 to index
        %get3A_183 = arith.constant 48 : index
        %get3A_184 = tpu.vector_load %arg10[%get3A_182, %get3A_183] {strides = array<i32>} : memref<2x128xi32, #tpu.memory_space<vmem>>, vector<16xi32>,
        tpu.vector_store_idx %arg14[%get3A_184], %broadcast_in_dim3A_5 {add = true} : memref<10240xf32, #tpu.memory_space<vmem>>[vector<16xi32>], vector<16xf32>,
        %get3A_185 = arith.constant 1 : i32
        %get3A_186 = arith.index_cast %get3A_185 : i32 to index
        %get3A_187 = arith.constant 64 : index
        %get3A_188 = tpu.vector_load %arg10[%get3A_186, %get3A_187] {strides = array<i32>} : memref<2x128xi32, #tpu.memory_space<vmem>>, vector<16xi32>,
        tpu.vector_store_idx %arg14[%get3A_188], %broadcast_in_dim3A_5 {add = true} : memref<10240xf32, #tpu.memory_space<vmem>>[vector<16xi32>], vector<16xf32>,
        %get3A_189 = arith.constant 1 : i32
        %get3A_190 = arith.index_cast %get3A_189 : i32 to index
        %get3A_191 = arith.constant 80 : index
        %get3A_192 = tpu.vector_load %arg10[%get3A_190, %get3A_191] {strides = array<i32>} : memref<2x128xi32, #tpu.memory_space<vmem>>, vector<16xi32>,
        tpu.vector_store_idx %arg14[%get3A_192], %broadcast_in_dim3A_5 {add = true} : memref<10240xf32, #tpu.memory_space<vmem>>[vector<16xi32>], vector<16xf32>,
        %get3A_193 = arith.constant 1 : i32
        %get3A_194 = arith.index_cast %get3A_193 : i32 to index
        %get3A_195 = arith.constant 96 : index
        %get3A_196 = tpu.vector_load %arg10[%get3A_194, %get3A_195] {strides = array<i32>} : memref<2x128xi32, #tpu.memory_space<vmem>>, vector<16xi32>,
        tpu.vector_store_idx %arg14[%get3A_196], %broadcast_in_dim3A_5 {add = true} : memref<10240xf32, #tpu.memory_space<vmem>>[vector<16xi32>], vector<16xf32>,
        %get3A_197 = arith.constant 1 : i32
        %get3A_198 = arith.index_cast %get3A_197 : i32 to index
        %get3A_199 = arith.constant 112 : index
        %get3A_200 = tpu.vector_load %arg10[%get3A_198, %get3A_199] {strides = array<i32>} : memref<2x128xi32, #tpu.memory_space<vmem>>, vector<16xi32>,
        tpu.vector_store_idx %arg14[%get3A_200], %broadcast_in_dim3A_5 {add = true} : memref<10240xf32, #tpu.memory_space<vmem>>[vector<16xi32>], vector<16xf32>,
      } else {
      }
      %add3A_131 = arith.constant 4 : i32
      %add3A_132 = arith.addi %add3A_126, %add3A_131 : i32
      %lt3A_133 = arith.cmpi slt, %add3A_132, %select_n3A : i32
      %convert_element_type3A_134 = arith.extui %lt3A_133 : i1 to i32
      %cond3A_135 = arith.constant 0 : i32
      %cond3A_136 = arith.cmpi ne, %convert_element_type3A_134, %cond3A_135 : i32
      scf.if %cond3A_136 {
        %add3A_163 = arith.constant 4 : i32
        %add3A_164 = arith.addi %add3A_126, %add3A_163 : i32
        %mul3A_165 = arith.constant 32 : i32
        %mul3A_166 = arith.muli %add3A_164, %mul3A_165 : i32
        %add3A_167 = arith.addi %add3A, %mul3A_166 : i32
        %dma_start3A_168 = arith.constant 0 : i32
        %dma_start3A_169 = arith.constant 0 : i32
        %dma_start3A_170 = tpu.memref_slice %arg3[%add3A_167, %dma_start3A_168, %dma_start3A_169] : memref<2500x2x128xi32, #tpu.memory_space<hbm>> -> memref<1x2x128xi32, #tpu.memory_space<hbm>>
        %dma_start3A_171 = tpu.memref_squeeze %dma_start3A_170 : memref<1x2x128xi32, #tpu.memory_space<hbm>> -> memref<2x128xi32, #tpu.memory_space<hbm>>
        %dma_start3A_172 = arith.constant 0 : i32
        %dma_start3A_173 = arith.constant 0 : i32
        %dma_start3A_174 = tpu.memref_slice %arg3[%add3A_167, %dma_start3A_172, %dma_start3A_173] : memref<2500x2x128xi32, #tpu.memory_space<hbm>> -> memref<1x2x128xi32, #tpu.memory_space<hbm>>
        %dma_start3A_175 = tpu.memref_squeeze %dma_start3A_174 : memref<1x2x128xi32, #tpu.memory_space<hbm>> -> memref<2x128xi32, #tpu.memory_space<hbm>>
        tpu.enqueue_dma source(%dma_start3A_175 : memref<2x128xi32, #tpu.memory_space<hbm>>) target(%arg10 : memref<2x128xi32, #tpu.memory_space<vmem>>) target_semaphore(%arg18 : memref<!tpu.dma_semaphore, #tpu.memory_space<semaphore_mem>>)
      } else {
      }
      %add3A_137 = arith.constant 2 : i32
      %add3A_138 = arith.addi %add3A_126, %add3A_137 : i32
      %lt3A_139 = arith.cmpi slt, %add3A_138, %select_n3A : i32
      %convert_element_type3A_140 = arith.extui %lt3A_139 : i1 to i32
      %cond3A_141 = arith.constant 0 : i32
      %cond3A_142 = arith.cmpi ne, %convert_element_type3A_140, %cond3A_141 : i32
      scf.if %cond3A_142 {
        %add3A_163 = arith.constant 2 : i32
        %add3A_164 = arith.addi %add3A_126, %add3A_163 : i32
        %mul3A_165 = arith.constant 32 : i32
        %mul3A_166 = arith.muli %add3A_164, %mul3A_165 : i32
        %add3A_167 = arith.addi %add3A, %mul3A_166 : i32
        %dma_wait3A_168 = arith.constant 0 : i32
        %dma_wait3A_169 = arith.constant 0 : i32
        %dma_wait3A_170 = tpu.memref_slice %arg3[%add3A_167, %dma_wait3A_168, %dma_wait3A_169] : memref<2500x2x128xi32, #tpu.memory_space<hbm>> -> memref<1x2x128xi32, #tpu.memory_space<hbm>>
        %dma_wait3A_171 = tpu.memref_squeeze %dma_wait3A_170 : memref<1x2x128xi32, #tpu.memory_space<hbm>> -> memref<2x128xi32, #tpu.memory_space<hbm>>
        %dma_wait3A_172 = arith.constant 0 : i32
        %dma_wait3A_173 = arith.constant 0 : i32
        %dma_wait3A_174 = tpu.memref_slice %arg3[%add3A_167, %dma_wait3A_172, %dma_wait3A_173] : memref<2500x2x128xi32, #tpu.memory_space<hbm>> -> memref<1x2x128xi32, #tpu.memory_space<hbm>>
        %dma_wait3A_175 = tpu.memref_squeeze %dma_wait3A_174 : memref<1x2x128xi32, #tpu.memory_space<hbm>> -> memref<2x128xi32, #tpu.memory_space<hbm>>
        tpu.wait_dma2 semaphore(%arg16 : memref<!tpu.dma_semaphore, #tpu.memory_space<semaphore_mem>>) src(%dma_wait3A_175 : memref<2x128xi32, #tpu.memory_space<hbm>>) dst(%arg8 : memref<2x128xi32, #tpu.memory_space<vmem>>)
        %dma_start3A_176 = arith.constant 0 : i32
        %dma_start3A_177 = arith.constant 0 : i32
        %dma_start3A_178 = tpu.memref_slice %arg8[%dma_start3A_176, %dma_start3A_177] : memref<2x128xi32, #tpu.memory_space<vmem>> -> memref<1x128xi32, #tpu.memory_space<vmem>>
        %dma_start3A_179 = tpu.memref_squeeze %dma_start3A_178 : memref<1x128xi32, #tpu.memory_space<vmem>> -> memref<128xi32, #tpu.memory_space<vmem>>
        %dma_start3A_180 = arith.constant 0 : i32
        %dma_start3A_181 = arith.constant 0 : i32
        %dma_start3A_182 = tpu.memref_slice %arg2[%dma_start3A_180, %dma_start3A_181] : memref<10000x128xf32, #tpu.memory_space<hbm>> -> memref<10000x128xf32, #tpu.memory_space<hbm>>
        tpu.enqueue_indirect_dma source(%dma_start3A_182 : memref<10000x128xf32, #tpu.memory_space<hbm>>) target(%arg12 : memref<128x128xf32, #tpu.memory_space<vmem>>) offsets(%dma_start3A_179 : memref<128xi32, #tpu.memory_space<vmem>>) semaphore(%arg20 : memref<!tpu.dma_semaphore, #tpu.memory_space<semaphore_mem>>)
      } else {
      }
      %mul3A_143 = arith.constant 4 : i32
      %mul3A_144 = arith.muli %scan3A_84, %mul3A_143 : i32
      %add3A_145 = arith.constant 3 : i32
      %add3A_146 = arith.addi %mul3A_144, %add3A_145 : i32
      %lt3A_147 = arith.cmpi slt, %add3A_146, %select_n3A : i32
      %convert_element_type3A_148 = arith.extui %lt3A_147 : i1 to i32
      %cond3A_149 = arith.constant 0 : i32
      %cond3A_150 = arith.cmpi ne, %convert_element_type3A_148, %cond3A_149 : i32
      scf.if %cond3A_150 {
        %dma_wait3A_163 = arith.constant 0 : i32
        %dma_wait3A_164 = arith.constant 0 : i32
        %dma_wait3A_165 = tpu.memref_slice %arg11[%dma_wait3A_163, %dma_wait3A_164] : memref<2x128xi32, #tpu.memory_space<vmem>> -> memref<1x128xi32, #tpu.memory_space<vmem>>
        %dma_wait3A_166 = tpu.memref_squeeze %dma_wait3A_165 : memref<1x128xi32, #tpu.memory_space<vmem>> -> memref<128xi32, #tpu.memory_space<vmem>>
        %dma_wait3A_167 = arith.constant 0 : i32
        %dma_wait3A_168 = arith.constant 0 : i32
        %dma_wait3A_169 = tpu.memref_slice %arg2[%dma_wait3A_167, %dma_wait3A_168] : memref<10000x128xf32, #tpu.memory_space<hbm>> -> memref<10000x128xf32, #tpu.memory_space<hbm>>
        tpu.wait_indirect_dma semaphore(%arg21 : memref<!tpu.dma_semaphore, #tpu.memory_space<semaphore_mem>>) src(%dma_wait3A_169 : memref<10000x128xf32, #tpu.memory_space<hbm>>) dst(%arg13 : memref<128x128xf32, #tpu.memory_space<vmem>>)
        %run_scoped3A = arith.constant 1 : i32
        "tpu.region"() ({
          %run_scoped3A_201 = tpu.sem_alloc : memref<!tpu.dma_semaphore, #tpu.memory_space<semaphore_mem>>
          %dma_start3A_202 = arith.constant 0 : i32
          %dma_start3A_203 = tpu.memref_slice %arg11[%run_scoped3A, %dma_start3A_202] : memref<2x128xi32, #tpu.memory_space<vmem>> -> memref<1x128xi32, #tpu.memory_space<vmem>>
          %dma_start3A_204 = tpu.memref_squeeze %dma_start3A_203 : memref<1x128xi32, #tpu.memory_space<vmem>> -> memref<128xi32, #tpu.memory_space<vmem>>
          %dma_start3A_205 = arith.constant 0 : i32
          %dma_start3A_206 = arith.constant 0 : i32
          %dma_start3A_207 = tpu.memref_slice %arg15[%dma_start3A_205, %dma_start3A_206] : memref<10240x128xf32, #tpu.memory_space<vmem_shared>> -> memref<10240x128xf32, #tpu.memory_space<vmem_shared>>
          tpu.enqueue_indirect_dma source(%arg13 : memref<128x128xf32, #tpu.memory_space<vmem>>) target(%dma_start3A_207 : memref<10240x128xf32, #tpu.memory_space<vmem_shared>>) offsets(%dma_start3A_204 : memref<128xi32, #tpu.memory_space<vmem>>) semaphore(%run_scoped3A_201 : memref<!tpu.dma_semaphore, #tpu.memory_space<semaphore_mem>>) {add = true}
          %dma_wait3A_208 = arith.constant 0 : i32
          %dma_wait3A_209 = tpu.memref_slice %arg11[%run_scoped3A, %dma_wait3A_208] : memref<2x128xi32, #tpu.memory_space<vmem>> -> memref<1x128xi32, #tpu.memory_space<vmem>>
          %dma_wait3A_210 = tpu.memref_squeeze %dma_wait3A_209 : memref<1x128xi32, #tpu.memory_space<vmem>> -> memref<128xi32, #tpu.memory_space<vmem>>
          %dma_wait3A_211 = arith.constant 0 : i32
          %dma_wait3A_212 = arith.constant 0 : i32
          %dma_wait3A_213 = tpu.memref_slice %arg15[%dma_wait3A_211, %dma_wait3A_212] : memref<10240x128xf32, #tpu.memory_space<vmem_shared>> -> memref<10240x128xf32, #tpu.memory_space<vmem_shared>>
          tpu.wait_indirect_dma semaphore(%run_scoped3A_201 : memref<!tpu.dma_semaphore, #tpu.memory_space<semaphore_mem>>) src(%arg13 : memref<128x128xf32, #tpu.memory_space<vmem>>) dst(%dma_wait3A_213 : memref<10240x128xf32, #tpu.memory_space<vmem_shared>>)
          tpu.yield
        }) : () -> ()
        %get3A = arith.constant 1 : i32
        %get3A_170 = arith.index_cast %get3A : i32 to index
        %get3A_171 = arith.constant 0 : index
        %get3A_172 = tpu.vector_load %arg11[%get3A_170, %get3A_171] {strides = array<i32>} : memref<2x128xi32, #tpu.memory_space<vmem>>, vector<16xi32>,
        tpu.vector_store_idx %arg14[%get3A_172], %broadcast_in_dim3A_5 {add = true} : memref<10240xf32, #tpu.memory_space<vmem>>[vector<16xi32>], vector<16xf32>,
        %get3A_173 = arith.constant 1 : i32
        %get3A_174 = arith.index_cast %get3A_173 : i32 to index
        %get3A_175 = arith.constant 16 : index
        %get3A_176 = tpu.vector_load %arg11[%get3A_174, %get3A_175] {strides = array<i32>} : memref<2x128xi32, #tpu.memory_space<vmem>>, vector<16xi32>,
        tpu.vector_store_idx %arg14[%get3A_176], %broadcast_in_dim3A_5 {add = true} : memref<10240xf32, #tpu.memory_space<vmem>>[vector<16xi32>], vector<16xf32>,
        %get3A_177 = arith.constant 1 : i32
        %get3A_178 = arith.index_cast %get3A_177 : i32 to index
        %get3A_179 = arith.constant 32 : index
        %get3A_180 = tpu.vector_load %arg11[%get3A_178, %get3A_179] {strides = array<i32>} : memref<2x128xi32, #tpu.memory_space<vmem>>, vector<16xi32>,
        tpu.vector_store_idx %arg14[%get3A_180], %broadcast_in_dim3A_5 {add = true} : memref<10240xf32, #tpu.memory_space<vmem>>[vector<16xi32>], vector<16xf32>,
        %get3A_181 = arith.constant 1 : i32
        %get3A_182 = arith.index_cast %get3A_181 : i32 to index
        %get3A_183 = arith.constant 48 : index
        %get3A_184 = tpu.vector_load %arg11[%get3A_182, %get3A_183] {strides = array<i32>} : memref<2x128xi32, #tpu.memory_space<vmem>>, vector<16xi32>,
        tpu.vector_store_idx %arg14[%get3A_184], %broadcast_in_dim3A_5 {add = true} : memref<10240xf32, #tpu.memory_space<vmem>>[vector<16xi32>], vector<16xf32>,
        %get3A_185 = arith.constant 1 : i32
        %get3A_186 = arith.index_cast %get3A_185 : i32 to index
        %get3A_187 = arith.constant 64 : index
        %get3A_188 = tpu.vector_load %arg11[%get3A_186, %get3A_187] {strides = array<i32>} : memref<2x128xi32, #tpu.memory_space<vmem>>, vector<16xi32>,
        tpu.vector_store_idx %arg14[%get3A_188], %broadcast_in_dim3A_5 {add = true} : memref<10240xf32, #tpu.memory_space<vmem>>[vector<16xi32>], vector<16xf32>,
        %get3A_189 = arith.constant 1 : i32
        %get3A_190 = arith.index_cast %get3A_189 : i32 to index
        %get3A_191 = arith.constant 80 : index
        %get3A_192 = tpu.vector_load %arg11[%get3A_190, %get3A_191] {strides = array<i32>} : memref<2x128xi32, #tpu.memory_space<vmem>>, vector<16xi32>,
        tpu.vector_store_idx %arg14[%get3A_192], %broadcast_in_dim3A_5 {add = true} : memref<10240xf32, #tpu.memory_space<vmem>>[vector<16xi32>], vector<16xf32>,
        %get3A_193 = arith.constant 1 : i32
        %get3A_194 = arith.index_cast %get3A_193 : i32 to index
        %get3A_195 = arith.constant 96 : index
        %get3A_196 = tpu.vector_load %arg11[%get3A_194, %get3A_195] {strides = array<i32>} : memref<2x128xi32, #tpu.memory_space<vmem>>, vector<16xi32>,
        tpu.vector_store_idx %arg14[%get3A_196], %broadcast_in_dim3A_5 {add = true} : memref<10240xf32, #tpu.memory_space<vmem>>[vector<16xi32>], vector<16xf32>,
        %get3A_197 = arith.constant 1 : i32
        %get3A_198 = arith.index_cast %get3A_197 : i32 to index
        %get3A_199 = arith.constant 112 : index
        %get3A_200 = tpu.vector_load %arg11[%get3A_198, %get3A_199] {strides = array<i32>} : memref<2x128xi32, #tpu.memory_space<vmem>>, vector<16xi32>,
        tpu.vector_store_idx %arg14[%get3A_200], %broadcast_in_dim3A_5 {add = true} : memref<10240xf32, #tpu.memory_space<vmem>>[vector<16xi32>], vector<16xf32>,
      } else {
      }
      %add3A_151 = arith.constant 4 : i32
      %add3A_152 = arith.addi %add3A_146, %add3A_151 : i32
      %lt3A_153 = arith.cmpi slt, %add3A_152, %select_n3A : i32
      %convert_element_type3A_154 = arith.extui %lt3A_153 : i1 to i32
      %cond3A_155 = arith.constant 0 : i32
      %cond3A_156 = arith.cmpi ne, %convert_element_type3A_154, %cond3A_155 : i32
      scf.if %cond3A_156 {
        %add3A_163 = arith.constant 4 : i32
        %add3A_164 = arith.addi %add3A_146, %add3A_163 : i32
        %mul3A_165 = arith.constant 32 : i32
        %mul3A_166 = arith.muli %add3A_164, %mul3A_165 : i32
        %add3A_167 = arith.addi %add3A, %mul3A_166 : i32
        %dma_start3A_168 = arith.constant 0 : i32
        %dma_start3A_169 = arith.constant 0 : i32
        %dma_start3A_170 = tpu.memref_slice %arg3[%add3A_167, %dma_start3A_168, %dma_start3A_169] : memref<2500x2x128xi32, #tpu.memory_space<hbm>> -> memref<1x2x128xi32, #tpu.memory_space<hbm>>
        %dma_start3A_171 = tpu.memref_squeeze %dma_start3A_170 : memref<1x2x128xi32, #tpu.memory_space<hbm>> -> memref<2x128xi32, #tpu.memory_space<hbm>>
        %dma_start3A_172 = arith.constant 0 : i32
        %dma_start3A_173 = arith.constant 0 : i32
        %dma_start3A_174 = tpu.memref_slice %arg3[%add3A_167, %dma_start3A_172, %dma_start3A_173] : memref<2500x2x128xi32, #tpu.memory_space<hbm>> -> memref<1x2x128xi32, #tpu.memory_space<hbm>>
        %dma_start3A_175 = tpu.memref_squeeze %dma_start3A_174 : memref<1x2x128xi32, #tpu.memory_space<hbm>> -> memref<2x128xi32, #tpu.memory_space<hbm>>
        tpu.enqueue_dma source(%dma_start3A_175 : memref<2x128xi32, #tpu.memory_space<hbm>>) target(%arg11 : memref<2x128xi32, #tpu.memory_space<vmem>>) target_semaphore(%arg19 : memref<!tpu.dma_semaphore, #tpu.memory_space<semaphore_mem>>)
      } else {
      }
      %add3A_157 = arith.constant 2 : i32
      %add3A_158 = arith.addi %add3A_146, %add3A_157 : i32
      %lt3A_159 = arith.cmpi slt, %add3A_158, %select_n3A : i32
      %convert_element_type3A_160 = arith.extui %lt3A_159 : i1 to i32
      %cond3A_161 = arith.constant 0 : i32
      %cond3A_162 = arith.cmpi ne, %convert_element_type3A_160, %cond3A_161 : i32
      scf.if %cond3A_162 {
        %add3A_163 = arith.constant 2 : i32
        %add3A_164 = arith.addi %add3A_146, %add3A_163 : i32
        %mul3A_165 = arith.constant 32 : i32
        %mul3A_166 = arith.muli %add3A_164, %mul3A_165 : i32
        %add3A_167 = arith.addi %add3A, %mul3A_166 : i32
        %dma_wait3A_168 = arith.constant 0 : i32
        %dma_wait3A_169 = arith.constant 0 : i32
        %dma_wait3A_170 = tpu.memref_slice %arg3[%add3A_167, %dma_wait3A_168, %dma_wait3A_169] : memref<2500x2x128xi32, #tpu.memory_space<hbm>> -> memref<1x2x128xi32, #tpu.memory_space<hbm>>
        %dma_wait3A_171 = tpu.memref_squeeze %dma_wait3A_170 : memref<1x2x128xi32, #tpu.memory_space<hbm>> -> memref<2x128xi32, #tpu.memory_space<hbm>>
        %dma_wait3A_172 = arith.constant 0 : i32
        %dma_wait3A_173 = arith.constant 0 : i32
        %dma_wait3A_174 = tpu.memref_slice %arg3[%add3A_167, %dma_wait3A_172, %dma_wait3A_173] : memref<2500x2x128xi32, #tpu.memory_space<hbm>> -> memref<1x2x128xi32, #tpu.memory_space<hbm>>
        %dma_wait3A_175 = tpu.memref_squeeze %dma_wait3A_174 : memref<1x2x128xi32, #tpu.memory_space<hbm>> -> memref<2x128xi32, #tpu.memory_space<hbm>>
        tpu.wait_dma2 semaphore(%arg17 : memref<!tpu.dma_semaphore, #tpu.memory_space<semaphore_mem>>) src(%dma_wait3A_175 : memref<2x128xi32, #tpu.memory_space<hbm>>) dst(%arg9 : memref<2x128xi32, #tpu.memory_space<vmem>>)
        %dma_start3A_176 = arith.constant 0 : i32
        %dma_start3A_177 = arith.constant 0 : i32
        %dma_start3A_178 = tpu.memref_slice %arg9[%dma_start3A_176, %dma_start3A_177] : memref<2x128xi32, #tpu.memory_space<vmem>> -> memref<1x128xi32, #tpu.memory_space<vmem>>
        %dma_start3A_179 = tpu.memref_squeeze %dma_start3A_178 : memref<1x128xi32, #tpu.memory_space<vmem>> -> memref<128xi32, #tpu.memory_space<vmem>>
        %dma_start3A_180 = arith.constant 0 : i32
        %dma_start3A_181 = arith.constant 0 : i32
        %dma_start3A_182 = tpu.memref_slice %arg2[%dma_start3A_180, %dma_start3A_181] : memref<10000x128xf32, #tpu.memory_space<hbm>> -> memref<10000x128xf32, #tpu.memory_space<hbm>>
        tpu.enqueue_indirect_dma source(%dma_start3A_182 : memref<10000x128xf32, #tpu.memory_space<hbm>>) target(%arg13 : memref<128x128xf32, #tpu.memory_space<vmem>>) offsets(%dma_start3A_179 : memref<128xi32, #tpu.memory_space<vmem>>) semaphore(%arg21 : memref<!tpu.dma_semaphore, #tpu.memory_space<semaphore_mem>>)
      } else {
      }
    }
    %scan3A_82 = arith.constant 20 : i32
    %barrier3A_83 = arith.constant 0 : index
    tpu.barrier barrier_id(%barrier3A_83)
    "tpu.region"() ({
      %run_scoped3A = tpu.sem_alloc : memref<!tpu.dma_semaphore, #tpu.memory_space<semaphore_mem>>
      %dma_start3A_84 = arith.constant 0 : i32
      %dma_start3A_85 = tpu.memref_slice %arg6[%arg0, %mul3A_2, %dma_start3A_84] : memref<2x10240x128xf32, #tpu.memory_space<hbm>> -> memref<1x640x128xf32, #tpu.memory_space<hbm>>
      %dma_start3A_86 = tpu.memref_squeeze %dma_start3A_85 : memref<1x640x128xf32, #tpu.memory_space<hbm>> -> memref<640x128xf32, #tpu.memory_space<hbm>>
      %dma_start3A_87 = arith.constant 0 : i32
      %dma_start3A_88 = tpu.memref_slice %arg15[%mul3A_2, %dma_start3A_87] : memref<10240x128xf32, #tpu.memory_space<vmem_shared>> -> memref<640x128xf32, #tpu.memory_space<vmem_shared>>
      tpu.enqueue_dma source(%dma_start3A_88 : memref<640x128xf32, #tpu.memory_space<vmem_shared>>) target(%dma_start3A_86 : memref<640x128xf32, #tpu.memory_space<hbm>>) target_semaphore(%run_scoped3A : memref<!tpu.dma_semaphore, #tpu.memory_space<semaphore_mem>>)
      %dma_wait3A_89 = arith.constant 0 : i32
      %dma_wait3A_90 = tpu.memref_slice %arg6[%arg0, %mul3A_2, %dma_wait3A_89] : memref<2x10240x128xf32, #tpu.memory_space<hbm>> -> memref<1x640x128xf32, #tpu.memory_space<hbm>>
      %dma_wait3A_91 = tpu.memref_squeeze %dma_wait3A_90 : memref<1x640x128xf32, #tpu.memory_space<hbm>> -> memref<640x128xf32, #tpu.memory_space<hbm>>
      %dma_wait3A_92 = arith.constant 0 : i32
      %dma_wait3A_93 = tpu.memref_slice %arg15[%mul3A_2, %dma_wait3A_92] : memref<10240x128xf32, #tpu.memory_space<vmem_shared>> -> memref<640x128xf32, #tpu.memory_space<vmem_shared>>
      tpu.wait_dma2 semaphore(%run_scoped3A : memref<!tpu.dma_semaphore, #tpu.memory_space<semaphore_mem>>) src(%dma_wait3A_93 : memref<640x128xf32, #tpu.memory_space<vmem_shared>>) dst(%dma_wait3A_91 : memref<640x128xf32, #tpu.memory_space<hbm>>)
      tpu.yield
    }) : () -> ()
    "tpu.region"() ({
      %run_scoped3A = tpu.sem_alloc : memref<!tpu.dma_semaphore, #tpu.memory_space<semaphore_mem>>
      %dma_start3A_84 = arith.constant 0 : i32
      %dma_start3A_85 = tpu.memref_slice %arg7[%add3A, %dma_start3A_84] : memref<32x10240xf32, #tpu.memory_space<hbm>> -> memref<1x10240xf32, #tpu.memory_space<hbm>>
      %dma_start3A_86 = tpu.memref_squeeze %dma_start3A_85 : memref<1x10240xf32, #tpu.memory_space<hbm>> -> memref<10240xf32, #tpu.memory_space<hbm>>
      %dma_start3A_87 = arith.constant 0 : i32
      %dma_start3A_88 = tpu.memref_slice %arg7[%add3A, %dma_start3A_87] : memref<32x10240xf32, #tpu.memory_space<hbm>> -> memref<1x10240xf32, #tpu.memory_space<hbm>>
      %dma_start3A_89 = tpu.memref_squeeze %dma_start3A_88 : memref<1x10240xf32, #tpu.memory_space<hbm>> -> memref<10240xf32, #tpu.memory_space<hbm>>
      tpu.enqueue_dma source(%arg14 : memref<10240xf32, #tpu.memory_space<vmem>>) target(%dma_start3A_89 : memref<10240xf32, #tpu.memory_space<hbm>>) target_semaphore(%run_scoped3A : memref<!tpu.dma_semaphore, #tpu.memory_space<semaphore_mem>>)
      %dma_wait3A_90 = arith.constant 0 : i32
      %dma_wait3A_91 = tpu.memref_slice %arg7[%add3A, %dma_wait3A_90] : memref<32x10240xf32, #tpu.memory_space<hbm>> -> memref<1x10240xf32, #tpu.memory_space<hbm>>
      %dma_wait3A_92 = tpu.memref_squeeze %dma_wait3A_91 : memref<1x10240xf32, #tpu.memory_space<hbm>> -> memref<10240xf32, #tpu.memory_space<hbm>>
      %dma_wait3A_93 = arith.constant 0 : i32
      %dma_wait3A_94 = tpu.memref_slice %arg7[%add3A, %dma_wait3A_93] : memref<32x10240xf32, #tpu.memory_space<hbm>> -> memref<1x10240xf32, #tpu.memory_space<hbm>>
      %dma_wait3A_95 = tpu.memref_squeeze %dma_wait3A_94 : memref<1x10240xf32, #tpu.memory_space<hbm>> -> memref<10240xf32, #tpu.memory_space<hbm>>
      tpu.wait_dma2 semaphore(%run_scoped3A : memref<!tpu.dma_semaphore, #tpu.memory_space<semaphore_mem>>) src(%arg14 : memref<10240xf32, #tpu.memory_space<vmem>>) dst(%dma_wait3A_95 : memref<10240xf32, #tpu.memory_space<hbm>>)
      tpu.yield
    }) : () -> ()
    return
  }
}

module attributes {stable_mosaic.version = 14 : i64} {
  func.func @_tc_body(%arg0: i32, %arg1: memref<1000x128xf32, #tpu.memory_space<vmem>>, %arg2: memref<1000x128xf32, #tpu.memory_space<vmem>>, %arg3: memref<1000x128xf32, #tpu.memory_space<vmem>>, %arg4: memref<1000x32xf32, #tpu.memory_space<vmem>>, %arg5: memref<128x256xf32, #tpu.memory_space<vmem>>, %arg6: memref<1x128xf32, #tpu.memory_space<vmem>>, %arg7: memref<1000x128xf32, #tpu.memory_space<vmem>>) attributes {dimension_semantics = [#tpu.dimension_semantics<arbitrary>], iteration_bounds = array<i64: 10>, scalar_prefetch = 0 : i64, scratch_operands = 0 : i64, tpu.core_type = #tpu.core_type<tc>, window_params = [{transform_indices = @transform_0, window_bounds = array<i64: 1000, 128>}, {transform_indices = @transform_1, window_bounds = array<i64: 1000, 128>}, {transform_indices = @transform_2, window_bounds = array<i64: 1000, 128>}, {transform_indices = @transform_3, window_bounds = array<i64: 1000, 32>}, {pipeline_mode = #tpu.pipeline_mode<synchronous>, transform_indices = @transform_4, window_bounds = array<i64: 128, 256>}, {pipeline_mode = #tpu.pipeline_mode<synchronous>, transform_indices = @transform_5, window_bounds = array<i64: 1, 128>}, {transform_indices = @transform_6, window_bounds = array<i64: 1000, 128>}]} {
    %get3A = arith.constant 0 : index
    %get3A_0 = arith.constant 0 : index
    %get3A_1 = vector.load %arg1[%get3A, %get3A_0] : memref<1000x128xf32, #tpu.memory_space<vmem>>, vector<1000x128xf32>
    %get3A_2 = arith.constant 0 : index
    %get3A_3 = arith.constant 0 : index
    %get3A_4 = vector.load %arg2[%get3A_2, %get3A_3] : memref<1000x128xf32, #tpu.memory_space<vmem>>, vector<1000x128xf32>
    %get3A_5 = arith.constant 0 : index
    %get3A_6 = arith.constant 0 : index
    %get3A_7 = vector.load %arg3[%get3A_5, %get3A_6] : memref<1000x128xf32, #tpu.memory_space<vmem>>, vector<1000x128xf32>
    %add3A = arith.addf %get3A_4, %get3A_7 : vector<1000x128xf32>
    %broadcast_in_dim3A = arith.constant 1.000000e+00 : f32
    %broadcast_in_dim3A_8 = vector.broadcast %broadcast_in_dim3A : f32 to vector<1x32xf32>
    %get3A_9 = arith.constant 0 : index
    %get3A_10 = arith.constant 0 : index
    %get3A_11 = vector.load %arg4[%get3A_9, %get3A_10] : memref<1000x32xf32, #tpu.memory_space<vmem>>, vector<1000x32xf32>
    %dot_general3A = arith.constant dense<0.000000e+00> : vector<1000x1xf32>
    %dot_general3A_12 = tpu.matmul %get3A_11, %broadcast_in_dim3A_8, %dot_general3A {dimension_numbers = #tpu.dot_dimension_numbers<[1], [1], [0], [0], [0, 0, 1, 0], [], []>, transpose_lhs_hint = false} : vector<1000x32xf32>, vector<1x32xf32>, vector<1000x1xf32> -> vector<1000x1xf32>
    %max3A = arith.constant 1.000000e+00 : f32
    %max3A_13 = vector.broadcast %max3A : f32 to vector<1000x1xf32>
    %max3A_14 = arith.maximumf %dot_general3A_12, %max3A_13 : vector<1000x1xf32>
    %div3A = arith.constant 1.000000e+00 : f32
    %div3A_15 = vector.broadcast %div3A : f32 to vector<1000x1xf32>
    %div3A_16 = arith.divf %div3A_15, %max3A_14 : vector<1000x1xf32>
    %mul3A = vector.broadcast %div3A_16 : vector<1000x1xf32> to vector<1000x128xf32>
    %mul3A_17 = arith.mulf %add3A, %mul3A : vector<1000x128xf32>
    %get3A_18 = arith.constant 0 : index
    %get3A_19 = arith.constant 0 : index
    %get3A_20 = vector.load %arg5[%get3A_18, %get3A_19] : memref<128x256xf32, #tpu.memory_space<vmem>>, vector<128x128xf32>
    %get3A_21 = arith.constant 0 : index
    %get3A_22 = arith.constant 128 : index
    %get3A_23 = vector.load %arg5[%get3A_21, %get3A_22] : memref<128x256xf32, #tpu.memory_space<vmem>>, vector<128x128xf32>
    %dot_general3A_24 = arith.constant dense<0.000000e+00> : vector<1000x128xf32>
    %dot_general3A_25 = tpu.matmul %get3A_1, %get3A_20, %dot_general3A_24 {dimension_numbers = #tpu.dot_dimension_numbers<[1], [1], [0], [0], [0, 0, 1, 0], [], []>, transpose_lhs_hint = false} : vector<1000x128xf32>, vector<128x128xf32>, vector<1000x128xf32> -> vector<1000x128xf32>
    %dot_general3A_26 = arith.constant dense<0.000000e+00> : vector<1000x128xf32>
    %dot_general3A_27 = tpu.matmul %mul3A_17, %get3A_23, %dot_general3A_26 {dimension_numbers = #tpu.dot_dimension_numbers<[1], [1], [0], [0], [0, 0, 1, 0], [], []>, transpose_lhs_hint = false} : vector<1000x128xf32>, vector<128x128xf32>, vector<1000x128xf32> -> vector<1000x128xf32>
    %add3A_28 = arith.addf %dot_general3A_25, %dot_general3A_27 : vector<1000x128xf32>
    %get3A_29 = arith.constant 0 : index
    %get3A_30 = arith.constant 0 : index
    %get3A_31 = vector.load %arg6[%get3A_29, %get3A_30] : memref<1x128xf32, #tpu.memory_space<vmem>>, vector<1x128xf32>
    %add3A_32 = vector.broadcast %get3A_31 : vector<1x128xf32> to vector<1000x128xf32>
    %add3A_33 = arith.addf %add3A_28, %add3A_32 : vector<1000x128xf32>
    %mul3A_34 = arith.mulf %add3A_33, %add3A_33 : vector<1000x128xf32>
    %reduce_sum3A = arith.constant dense<0.000000e+00> : vector<1000xf32>
    %reduce_sum3A_35 = vector.multi_reduction <add>, %mul3A_34, %reduce_sum3A [1] : vector<1000x128xf32> to vector<1000xf32>
    %broadcast_in_dim3A_36 = vector.shape_cast %reduce_sum3A_35 : vector<1000xf32> to vector<1000x1xf32>
    %sqrt3A = math.sqrt %broadcast_in_dim3A_36 : vector<1000x1xf32>
    %max3A_37 = arith.constant 9.99999996E-13 : f32
    %max3A_38 = vector.broadcast %max3A_37 : f32 to vector<1000x1xf32>
    %max3A_39 = arith.maximumf %sqrt3A, %max3A_38 : vector<1000x1xf32>
    %div3A_40 = vector.broadcast %max3A_39 : vector<1000x1xf32> to vector<1000x128xf32>
    %div3A_41 = arith.divf %add3A_33, %div3A_40 : vector<1000x128xf32>
    %swap3A = arith.constant 0 : index
    %swap3A_42 = arith.constant 0 : index
    %swap3A_43 = vector.load %arg7[%swap3A, %swap3A_42] : memref<1000x128xf32, #tpu.memory_space<vmem>>, vector<1000x128xf32>
    tpu.vector_store %arg7[%swap3A, %swap3A_42], %div3A_41 {strides = array<i32>} : memref<1000x128xf32, #tpu.memory_space<vmem>>, vector<1000x128xf32>,
    return
  }
  func.func @transform_0(%arg0: i32) -> (i32, i32) {
    %c0_i32 = arith.constant 0 : i32
    %c0_i32_0 = arith.constant 0 : i32
    return %arg0, %c0_i32 : i32, i32
  }
  func.func @transform_1(%arg0: i32) -> (i32, i32) {
    %c0_i32 = arith.constant 0 : i32
    %c0_i32_0 = arith.constant 0 : i32
    return %arg0, %c0_i32 : i32, i32
  }
  func.func @transform_2(%arg0: i32) -> (i32, i32) {
    %c0_i32 = arith.constant 0 : i32
    %c0_i32_0 = arith.constant 0 : i32
    return %arg0, %c0_i32 : i32, i32
  }
  func.func @transform_3(%arg0: i32) -> (i32, i32) {
    %c0_i32 = arith.constant 0 : i32
    %c0_i32_0 = arith.constant 0 : i32
    return %arg0, %c0_i32 : i32, i32
  }
  func.func @transform_4(%arg0: i32) -> (i32, i32) {
    %c0_i32 = arith.constant 0 : i32
    %c0_i32_0 = arith.constant 0 : i32
    %c0_i32_1 = arith.constant 0 : i32
    return %c0_i32, %c0_i32_0 : i32, i32
  }
  func.func @transform_5(%arg0: i32) -> (i32, i32) {
    %c0_i32 = arith.constant 0 : i32
    %c0_i32_0 = arith.constant 0 : i32
    %c0_i32_1 = arith.constant 0 : i32
    return %c0_i32, %c0_i32_0 : i32, i32
  }
  func.func @transform_6(%arg0: i32) -> (i32, i32) {
    %c0_i32 = arith.constant 0 : i32
    %c0_i32_0 = arith.constant 0 : i32
    return %arg0, %c0_i32 : i32, i32
  }
}

</mosaic_0001>

<sc_bundles>
// kernel: kernel.4.cloned.1.call-start
scs
__scs_entry_jumppad:
0x0: {  	(pc) =	sbr.rel $0x88, $3  }
0x1: {  	(tag) =	ssettag $0x0;
	lr =	simm.s32 $0x1  }
0x2: {  	[smem:$0x3F9D] =	sst lr;
	_ =	strace $0xD0000000  }
0x3: {  	_ = 	snop  }
0x4: {  	_ = 	snop  }
0x5: {  	_ = 	snop  }
0x6: {  	_ = 	snop  }
0x7: {  	_ = 	snop  }
__scs_overlays_trampoline_lowered:
0x8: {  	[smem:$0x3FAC] =	sst s0  }
0x9: {  	[smem:$0x3FAD] =	sst s1  }
0xa: {  	[smem:$0x3FAE] =	sst s2  }
0xb: {  	[smem:$0x3FAF] =	sst s3  }
0xc: {  	[smem:$0x3FB0] =	sst s4  }
0xd: {  	[smem:$0x3FB1] =	sst s5  }
0xe: {  	[smem:$0x3FB2] =	sst s6  }
0xf: {  	[smem:$0x3FB3] =	sst s7  }
0x10: {  	[smem:$0x3FB4] =	sst s8  }
0x11: {  	[smem:$0x3FB5] =	sst s9;
	s0 =	simm.s32 @!p0 $0x0  }
0x12: {  	s1 =	sld [smem:$0x3F9B];
	s0 =	simm.s32 @p0 $0x1  }
0x13: {  	[smem:$0x3FB6] =	sst s0;
	s0 =	simm.s32 @!p1 $0x0  }
0x14: {  	s2 =	sld [smem:$0x3F9A];
	s0 =	simm.s32 @p1 $0x1  }
0x15: {  	[smem:$0x3FB7] =	sst s0;
	s0 =	simm.s32 @!p2 $0x0  }
0x16: {  	s3 =	sld [smem:$0x3FDB];
	s0 =	simm.s32 @p2 $0x1  }
0x17: {  	s4 =	simm.s32 $0x1BF5;
	[smem:$0x3FB9] =	sst s0  }
0x18: {  	s0 =	sld [smem:$0x3F9C];
	_ =	swait.ge [sflag:s4], $0x0  }
0x19: {  	s7 =	sld [smem:$0x3F9D]  }
0x1a: {  	s8 =	sadd.s32 $0xFFFFE003, lr  }
0x1b: {  	s9 =	sadd.s32 $0xFFFFFEF7, lr;
	s5 =	simm.s32 $0xFFFFFFFF;
	p2 =	slt.u32 s8, $0xFFFFF086  }
0x1c: {  	p1 =	slt.u32 s9, $0xF7A;
	s5 =	simm.s32 @!p2 $0x0  }
0x1d: {  	s5 =	simm.s32 @p1 $0x1;
	p0 =	seq.s32 s7, s2  }
0x1e: {  	s7 =	smul.u32 @!p0 $0xF7A, s2;
	p2 =	seq.s32 @!p0 s5, $0x0  }
0x1f: {  	s9 =	smul.u32 $0xF7A, s1;
	s8 =	simm.s32 @!p0 $0x1BF5;
	p2 =	por !p2, p0  }
0x20: {  	[sflag:s8] =	ssyncset.s32 @!p0 $0xFFFFF086;
	s6 =	sadd.s32 @!p0 s3, s7;
	s7 =	simm.s32 @!p0 $0x108  }
0x21: {  	s3 =	sadd.s32 s3, s9;
	s6 =	sadd.s32 @!p0 $0x88, s6;
	s7 =	simm.s32 @p2 $0x1082  }
0x22: {  	[simem:s7], [sflag:s8] =	dma.local @!p0 [hbm:s6], $0xF7A  }
0x23: {  	s9 =	sor.u32 $0xD0000000, s2;
	s6 =	simm.s32 $0x108;
	_ =	swait.ge @!p0 [sflag:s8], $0x0  }
0x24: {  	s3 =	sadd.s32 $0x88, s3;
	s6 =	simm.s32 @!p1 $0x1082;
	[sflag:s4] =	ssyncset.s32 $0xFFFFF086  }
0x25: {  	[simem:s6], [sflag:s4] =	dma.local [hbm:s3], $0xF7A  }
0x26: {  	[smem:$0x3F9D] =	sst s1;
	(tag) =	ssettag s2;
	_ =	strace s9  }
0x27: {  	s1 =	sld [smem:$0x3FAD]  }
0x28: {  	s2 =	sld [smem:$0x3FAE]  }
0x29: {  	s4 =	sld [smem:$0x3FB0]  }
0x2a: {  	p0 =	seq.s32 s5, $0x0;
	s5 =	sld [smem:$0x3FB1]  }
0x2b: {  	s6 =	sld [smem:$0x3FB2]  }
0x2c: {  	s7 =	sld [smem:$0x3FB3]  }
0x2d: {  	s3 =	simm.s32 $0x108;
	s8 =	sld [smem:$0x3FB4]  }
0x2e: {  	s3 =	simm.s32 @!p0 $0x1082;
	s9 =	sld [smem:$0x3FB5]  }
0x2f: {  	lr =	sadd.s32 s0, s3;
	s0 =	sld [smem:$0x3FAC]  }
0x30: {  	s3 =	sld [smem:$0x3FAF]  }
0x31: {  	[smem:$0x3FB8] =	sst s10  }
0x32: {  	s10 =	sld [smem:$0x3FB6];
	_ =	sdelay $0x3  }
0x33: {  	p0 =	seq.s32 s10, $0x1;
	s10 =	sld [smem:$0x3FB8];
	_ =	sdelay $0x3  }
0x34: {  	[smem:$0x3FB8] =	sst s10  }
0x35: {  	s10 =	sld [smem:$0x3FB7];
	_ =	sdelay $0x3  }
0x36: {  	p1 =	seq.s32 s10, $0x1;
	s10 =	sld [smem:$0x3FB8];
	_ =	sdelay $0x3  }
0x37: {  	[smem:$0x3FB8] =	sst s10  }
0x38: {  	s10 =	sld [smem:$0x3FB9]  }
0x39: {  	_ = 	snop;
	(pc) =	sbr.ind lr, $3  }
0x3a: {  	_ = 	snop  }
0x3b: {  	_ = 	snop  }
0x3c: {  	p2 =	seq.s32 s10, $0x1;
	s10 =	sld [smem:$0x3FB8]  }
0x3d: {  	_ =	shalt  }
0x3e: {  	_ =	shalt  }
0x3f: {  	_ =	shalt  }
0x40: {  	_ =	shalt  }
0x41: {  	_ =	shalt  }
0x42: {  	_ =	shalt  }
0x43: {  	_ =	shalt  }
0x44: {  	_ =	shalt  }
0x45: {  	_ =	shalt  }
0x46: {  	_ =	shalt  }
0x47: {  	_ =	shalt  }
0x48: {  	_ =	shalt  }
0x49: {  	_ =	shalt  }
0x4a: {  	_ =	shalt  }
0x4b: {  	_ =	shalt  }
0x4c: {  	_ =	shalt  }
0x4d: {  	_ =	shalt  }
0x4e: {  	_ =	shalt  }
0x4f: {  	_ =	shalt  }
0x50: {  	_ =	shalt  }
0x51: {  	_ =	shalt  }
0x52: {  	_ =	shalt  }
0x53: {  	_ =	shalt  }
0x54: {  	_ =	shalt  }
0x55: {  	_ =	shalt  }
0x56: {  	_ =	shalt  }
0x57: {  	_ =	shalt  }
0x58: {  	_ =	shalt  }
0x59: {  	_ =	shalt  }
0x5a: {  	_ =	shalt  }
0x5b: {  	_ =	shalt  }
0x5c: {  	_ =	shalt  }
0x5d: {  	_ =	shalt  }
0x5e: {  	_ =	shalt  }
0x5f: {  	_ =	shalt  }
0x60: {  	_ =	shalt  }
0x61: {  	_ =	shalt  }
0x62: {  	_ =	shalt  }
0x63: {  	_ =	shalt  }
0x64: {  	_ =	shalt  }
0x65: {  	_ =	shalt  }
0x66: {  	_ =	shalt  }
0x67: {  	_ =	shalt  }
0x68: {  	_ =	shalt  }
0x69: {  	_ =	shalt  }
0x6a: {  	_ =	shalt  }
0x6b: {  	_ =	shalt  }
0x6c: {  	_ =	shalt  }
0x6d: {  	_ =	shalt  }
0x6e: {  	_ =	shalt  }
0x6f: {  	_ =	shalt  }
0x70: {  	_ =	shalt  }
0x71: {  	_ =	shalt  }
0x72: {  	_ =	shalt  }
0x73: {  	_ =	shalt  }
0x74: {  	_ =	shalt  }
0x75: {  	_ =	shalt  }
0x76: {  	_ =	shalt  }
0x77: {  	_ =	shalt  }
0x78: {  	_ =	shalt  }
0x79: {  	_ =	shalt  }
0x7a: {  	_ =	shalt  }
0x7b: {  	_ =	shalt  }
0x7c: {  	_ =	shalt  }
0x7d: {  	_ =	shalt  }
0x7e: {  	_ =	shalt  }
0x7f: {  	_ =	shalt  }
0x80: {  	_ =	shalt  }
0x81: {  	_ =	shalt  }
0x82: {  	_ =	shalt  }
0x83: {  	_ =	shalt  }
0x84: {  	_ =	shalt  }
0x85: {  	_ =	shalt  }
0x86: {  	_ =	shalt  }
0x87: {  	_ =	shalt  }
.Lfunc_end0:
.L_simem_size_0:
called_computation_lowered:
.L_overlay_start_0:
0x88: {  	s2 =	sld [smem:$0x3FD9]  }
0x89: {  	s3 =	sld [smem:$0x3FFE];
	_ =	sdelay $0x1  }
0x8a: {  	s1 =	srdreg.scid  }
0x8b: {  	s0 =	sand.u32 $0x1, s1  }
0x8c: {  	s17 =	sshll.u32 s0, $0xA;
	s2 =	sadd.s32 s3, s2  }
0x8d: {  	s2 =	sadd.s32 s2, s17  }
0x8e: {  	[smem:$0x3FC4] =	sst s2  }
0x8f: {  	_ = 	snop  }
0x90: {  	s2 =	sld [smem:$0x3FC9]  }
0x91: {  	s18 =	sld [smem:$0x3FC8]  }
0x92: {  	s4 =	sld [smem:$0x3FD0];
	(tm) =	ssettm $0x1  }
0x93: {  	s5 =	sld [smem:$0x3FFB];
	_ =	sdelay $0x3  }
0x94: {  	_ =	strace s5  }
0x95: {  	s5 =	sld [smem:$0x3FFC];
	_ =	sdelay $0x3  }
0x96: {  	_ =	strace s5  }
0x97: {  	s5 =	sld [smem:$0x3FFD];
	_ =	sdelay $0x3  }
0x98: {  	_ =	strace s5  }
0x99: {  	_ =	strace $0x8FFFFFFF  }
0x9a: {  	s19 =	sld [smem:$0x3FDB];
	_ =	sdelay $0x1  }
0x9b: {  	s6 =	simm.s32 $_scs_section_size  }
0x9c: {  	s7 =	simm.s32 $_size__tile_overlayer_lowered;
	s8 =	simm.s32 $_tile_overlayer_lowered  }
0x9d: {  	s22 =	simm.s32 $0x1BFF;
	s21 =	sshll.u32 s8, $0x1;
	s5 =	sadd.s32 s6, s19  }
0x9e: {  	s9 =	simm.s32 $0x0;
	s20 =	sshll.u32 s7, $0x1;
	s7 =	sadd.s32 s21, s5  }
0x9f: {  	[timem:s9], [sflag:s22] =	dma.local [hbm:s7], s20  }
0xa0: {  	_ =	swait.ge [sflag:s22], s20  }
0xa1: {  	s6 =	ssub.s32 $0x0, s20;
	[sflag:s22] =	ssyncset.done $0x0  }
0xa2: {  	[sflag:s22] =	ssyncadd.s32 s6;
	_ =	sdelay $0x1  }
0xa3: {  	s23 =	simm.s32 $0x1B8B  }
0xa4: {  	_ =	swait.ge [sflag:s23], $0x1  }
0xa5: {  	[sflag:s23] =	ssyncset.done $0x0  }
0xa6: {  	s25 =	simm.s32 $0x1B8E;
	s24 =	sld [smem:$0x3FFE];
	[sflag:s23] =	ssyncadd.s32 $0xFFFFFFFF  }
0xa7: {  	s26 =	simm.s32 $execute0_lowered;
	[smem:$0x3FD2] =	sst s25  }
0xa8: {  	s7 =	sshll.u32 s26, $0x1;
	_ =	strace $0x80000046;
	[dreg:$0x1] =	wrdreg $0xFFFFFFFF  }
0xa9: {  	s28 =	simm.s32 $_size_execute0_lowered;
	s5 =	sadd.s32 s5, s7;
	[dreg:$0x0] =	wrdreg $0x0  }
0xaa: {  	s7 =	sshll.u32 s28, $0x1;
	[dreg:$0x2] =	wrdreg s5  }
0xab: {  	[dreg:$0x3] =	wrdreg s7  }
0xac: {  	[dreg:$0x4] =	wrdreg $0xC0  }
0xad: {  	_ =	task [dreg:s9], $0x5FFFF  }
0xae: {  	[dreg:$0x1] =	wrdreg $0xFFFFFFFF  }
0xaf: {  	[dreg:$0x0] =	wrdreg $0x60  }
0xb0: {  	[dreg:$0x2] =	wrdreg s2  }
0xb1: {  	[dreg:$0x3] =	wrdreg s18  }
0xb2: {  	[dreg:$0x4] =	wrdreg s24  }
0xb3: {  	[dreg:$0x5] =	wrdreg s4  }
0xb4: {  	[dreg:$0x6] =	wrdreg $0xAC000  }
0xb5: {  	[dreg:$0x7] =	wrdreg $0x9  }
0xb6: {  	_ =	task.clear_ibuf [dreg:s9], $0x8FFFF;
	_ =	strace $0x90000046  }
0xb7: {  	s29 =	simm.s32 $0x9;
	_ =	strace $0x80000048  }
0xb8: {  	_ =	swait.ge [sflag:s29], $0x1  }
0xb9: {  	[sflag:s29] =	ssyncadd.s32 $0xFFFFFFFF  }
0xba: {  	_ =	strace $0x90000048  }
0xbb: {  	_ =	sfence  }
0xbc: {  	s30 =	sld [smem:$0x0];
	_ =	sdelay $0x2  }
0xbd: {  	s31 =	sshll.u32 s1, $0xD;
	s1 =	sshrl.u32 s1, $0x2  }
0xbe: {  	s3 =	sand.u32 $0x4000, s31;
	s1 =	sadd.s32 s1, s30  }
0xbf: {  	s0 =	sor.u32 s3, s0;
	s1 =	sshll.u32 s1, $0x11  }
0xc0: {  	s0 =	sor.u32 s1, s0  }
0xc1: {  	s0 =	sadd.s32 $0x8F2B, s0  }
0xc2: {  	[sflag:s0] =	ssyncadd.remote.s32 $0x1  }
0xc3: {  	_ =	sfence.sel $0xFFFF  }
0xc4: {  	[dreg:$0x0] =	wrdreg $0xFFFFFFFF;
	(pc) =	sbr.abs _section_cstart, $3  }
0xc5: {  	[dreg:$0x1] =	wrdreg $0xFFFFFFFF  }
0xc6: {  	_ =	task.clear_ibuf [dreg:s9], $0x2FFFF;
	_ =	strace $0x9FFFFFFF  }
0xc7: {  	(tm) =	ssettm $0x7FFFFFFF  }
tec
execute0_lowered:
.L_overlay_start_1:
0x0: {  	(tag) =	ssettag $0x1  }
0x1: {  	s1 =	rddreg [dreg:$0x0]  }
0x2: {  	s0 =	rddreg [dreg:$0x1]  }
0x3: {  	s3 =	rddreg [dreg:$0x2]  }
0x4: {  	s5 =	rddreg [dreg:$0x3]  }
0x5: {  	s2 =	rddreg [dreg:$0x4]  }
0x6: {  	s4 =	srdreg.scid;
	s6 =	stileid.u32;
	s26 =	simm.s32 $0x180  }
0x7: {  	s28 =	simm.s32 $0x4400;
	s29 =	simm.s32 $0x5;
	s30 =	simm.s32 $0x6  }
0x8: {  	s31 =	simm.s32 $0x0;
	s13 =	sand.u32 $0x1, s4;
	s4 =	simm.s32 $0x0  }
0x9: {  	s8 =	smul.u32 $0x14000, s6;
	s9 =	sadd.s32 $0x1E00, s3;
	s15 =	sadd.s32 $0x1800, s3  }
0xa: {  	s18 =	smul.u32 $0x50000, s6;
	s20 =	sshll.u32 s6, $0x6;
	s25 =	sshll.u32 s6, $0x5  }
0xb: {  	s7 =	smul.u32 $0x140000, s13;
	[smem:$0x7FF] =	sst s4;
	s16 =	ssub.s32 $0x2, s13  }
0xc: {  	s17 =	sshll.u32 s13, $0x4;
	_ =	strace $0x80000047;
	[dreg:$0x9] =	wrdreg s9  }
0xd: {  	s13 =	sshll.u32 s13, $0x9;
	[dreg:$0xa] =	wrdreg s15;
	s10 =	sshrl.u32 s16, $0x1  }
0xe: {  	s14 =	sor.u32 s6, s17;
	s9 =	sshrl.u32 s18, $0x2;
	s18 =	sshll.u32 s6, $0x7  }
0xf: {  	[dreg:$0x7] =	wrdreg s26;
	s26 =	simm.s32 $0x2;
	s7 =	sadd.s32 s8, s7  }
0x10: {  	p0 =	slt.u32 s14, $0x4;
	s15 =	ssub.s32 s16, s10;
	s19 =	sshll.u32 s14, $0x5  }
0x11: {  	s16 =	sadd.s32 s9, s2;
	s9 =	sor.u32 $0x1C07, s20;
	s14 =	sshrl.u32 s14, $0x3  }
0x12: {  	s18 =	sand.u32 $0x380, s18;
	s20 =	simm.s32 $0x100;
	s7 =	sshrl.u32 s7, $0x3  }
0x13: {  	s8 =	sadd.s32 s0, s19;
	s14 =	smul.u32 $0x14000, s14;
	s0 =	sadd.s32 s13, s0  }
0x14: {  	s15 =	smax.u32 s15, $0x1;
	s19 =	simm.s32 $0x8400;
	s3 =	sadd.s32 s7, s3  }
0x15: {  	s7 =	simm.s32 $0x4F;
	s21 =	sadd.s32 $0x400, s8;
	s22 =	sadd.s32 $0x800, s8  }
0x16: {  	s23 =	sadd.s32 $0xC00, s8;
	s0 =	sadd.s32 s25, s0;
	[dreg:$0xb] =	wrdreg s21  }
0x17: {  	s25 =	simm.s32 $0x400;
	s7 =	simm.s32 @!p0 $0x4E;
	[dreg:$0xc] =	wrdreg s22  }
0x18: {  	[dreg:$0xd] =	wrdreg s23;
	s14 =	sor.u32 s18, s14;
	s3 =	sadd.s32 $0x4600, s3  }
0x19: {  	s0 =	sadd.s32 $0x1000, s0;
	s17 =	sadd.s32 $0xFFFFFFFE, s7;
	[dreg:$0xe] =	wrdreg s3  }
0x1a: {  	s18 =	simm.s32 $0x7;
	s24 =	sadd.s32 $0xFFFFFFFD, s7;
	[dreg:$0x6] =	wrdreg s17  }
0x1b: {  	s23 =	simm.s32 $0x1;
	s14 =	sshrl.u32 s14, $0x3;
	[dreg:$0x8] =	wrdreg s24  }
0x1c: {  	v0 =	vimm.f32 $1.000000000e+00;
	s14 =	sadd.s32 s5, s14;
	s17 =	sshrl.u32 s16, $0x3;
	s24 =	simm.s32 $0x80  }
.LBB2_1:
0x1d: {  	s3 =	rddreg [dreg:$0x9]  }
0x1e: {  	[spmem:s17], [sflag:s9] =	dma.local [hbm:s3], $0x2800  }
0x1f: {  	_ =	swait.ge [sflag:s18], $0x2800  }
0x20: {  	[sflag:s18] =	ssyncset.done $0x0  }
0x21: {  	s12 =	rddreg [dreg:$0xa];
	[sflag:s18] =	ssyncadd.s32 $0xFFFFD800  }
0x22: {  	[tilespmem:s19], [sflag:$0x7] =	stream.linear.gather [hbm4b:s12+s4], $0x2800, $0x38;
	[tilespmem:$0x1EC00] =	vst v63  }
0x23: {  	_ =	swait.ge [sflag:s18], $0x2800  }
0x24: {  	[sflag:s18] =	ssyncset.done $0x0  }
0x25: {  	[sflag:s18] =	ssyncadd.s32 $0xFFFFD800  }
0x26: {  	[bflag:$0x0] =	sbarrier.arrive $0xFFFF  }
0x27: {  	[tilespmem:s4], [sflag:$0x1] =	stream.linear.gather [hbm4b:s8+s4], $0x100, $0x38;
	[tilespmem:$0x1EC00] =	vst v63  }
0x28: {  	s13 =	rddreg [dreg:$0xb]  }
0x29: {  	[tilespmem:s20], [sflag:$0x2] =	stream.linear.gather [hbm4b:s13+s4], $0x100, $0x38;
	[tilespmem:$0x1EC00] =	vst v63  }
0x2a: {  	s5 =	simm.s32 $0x200;
	s16 =	rddreg [dreg:$0xc]  }
0x2b: {  	[tilespmem:s5], [sflag:$0x3] =	stream.linear.gather [hbm4b:s16+s4], $0x100, $0x38;
	[tilespmem:$0x1EC00] =	vst v63  }
0x2c: {  	s22 =	simm.s32 $0x300;
	s21 =	rddreg [dreg:$0xd]  }
0x2d: {  	[tilespmem:s22], [sflag:$0x4] =	stream.linear.gather [hbm4b:s21+s4], $0x100, $0x38;
	[tilespmem:$0x1EC00] =	vst v63  }
0x2e: {  	_ =	swait.ge [sflag:s23], $0x100  }
0x2f: {  	[sflag:s23] =	ssyncset.done $0x0  }
0x30: {  	[sflag:s23] =	ssyncadd.s32 $0xFFFFFF00  }
0x31: {  	[tilespmem:s25], [sflag:$0x5] =	stream.indirect.gather [hbm4b:s1+s24], $0x80, s4, s24, $0xb8;
	[tilespmem:$0x1EC00] =	vst v63  }
0x32: {  	_ =	swait.ge [sflag:s26], $0x100  }
0x33: {  	[sflag:s26] =	ssyncset.done $0x0  }
0x34: {  	s3 =	simm.s32 $0x0;
	s16 =	smov.u32 s0;
	[sflag:s26] =	ssyncadd.s32 $0xFFFFFF00  }
0x35: {  	[tilespmem:s28], [sflag:$0x6] =	stream.indirect.gather [hbm4b:s1+s24], $0x80, s20, s24, $0xb8;
	[tilespmem:$0x1EC00] =	vst v63  }
.LBB2_2:
0x36: {  	_ =	swait.ge [sflag:s29], $0x4000  }
0x37: {  	[sflag:s29] =	ssyncset.done $0x0  }
0x38: {  	[sflag:s29] =	ssyncadd.s32 $0xFFFFC000  }
0x39: {  	[spmem:s2] =	stream.indirect.scatter.add.f32 [tilespmem:s25], [sflag:$0x7], $0x80, s24, s24, $0xb8;
	[tilespmem:$0x1EC00] =	vst v63  }
0x3a: {  	_ =	swait.ge [sflag:s18], $0x4000  }
0x3b: {  	[sflag:s18] =	ssyncset.done $0x0  }
0x3c: {  	[sflag:s18] =	ssyncadd.s32 $0xFFFFC000  }
0x3d: {  	v1 =	vld [tilespmem:$0x80];
	_ =	sdelay $0x7  }
0x3e: {  	[tilespmem:v1+s19+$0x0] =	vst.idx.add.f32.msk $0xffff, v0  }
0x3f: {  	v1 =	vld [tilespmem:$0x90];
	_ =	sdelay $0x7  }
0x40: {  	[tilespmem:v1+s19+$0x0] =	vst.idx.add.f32.msk $0xffff, v0  }
0x41: {  	v1 =	vld [tilespmem:$0xA0];
	_ =	sdelay $0x7  }
0x42: {  	[tilespmem:v1+s19+$0x0] =	vst.idx.add.f32.msk $0xffff, v0  }
0x43: {  	v1 =	vld [tilespmem:$0xB0];
	_ =	sdelay $0x7  }
0x44: {  	[tilespmem:v1+s19+$0x0] =	vst.idx.add.f32.msk $0xffff, v0  }
0x45: {  	v1 =	vld [tilespmem:$0xC0];
	_ =	sdelay $0x7  }
0x46: {  	[tilespmem:v1+s19+$0x0] =	vst.idx.add.f32.msk $0xffff, v0  }
0x47: {  	v1 =	vld [tilespmem:$0xD0];
	_ =	sdelay $0x7  }
0x48: {  	[tilespmem:v1+s19+$0x0] =	vst.idx.add.f32.msk $0xffff, v0  }
0x49: {  	v1 =	vld [tilespmem:$0xE0];
	_ =	sdelay $0x7  }
0x4a: {  	[tilespmem:v1+s19+$0x0] =	vst.idx.add.f32.msk $0xffff, v0  }
0x4b: {  	v1 =	vld [tilespmem:$0xF0];
	_ =	sdelay $0x5  }
0x4c: {  	s21 =	sadd.s32 $0x4, s3;
	s22 =	rddreg [dreg:$0x6]  }
0x4d: {  	p1 =	sge.u32 s21, s7;
	p3 =	sge.u32 s3, s22  }
0x4e: {  	s5 =	simm.s32 @!p1 $0x0;
	s22 =	simm.s32 @!p3 $0x3;
	[tilespmem:v1+s19+$0x0] =	vst.idx.add.f32.msk $0xffff, v0  }
0x4f: {  	[tilespmem:s5], [sflag:$0x1] =	stream.linear.gather @!p1 [hbm4b:s16+s5], $0x100, $0x38;
	[tilespmem:$0x1EC00] =	vst v63  }
0x50: {  	_ =	swait.ge @!p3 [sflag:s22], $0x100  }
0x51: {  	s6 =	simm.s32 @!p3 $0x80;
	[sflag:s22] =	ssyncset.done @!p3 $0x0  }
0x52: {  	s10 =	simm.s32 @!p3 $0x400;
	[sflag:s22] =	ssyncadd.s32 @!p3 $0xFFFFFF00;
	s22 =	simm.s32 @!p3 $0x200  }
0x53: {  	[tilespmem:s10], [sflag:$0x5] =	stream.indirect.gather @!p3 [hbm4b:s1+s6], $0x80, s22, s6, $0xb8;
	[tilespmem:$0x1EC00] =	vst v63  }
0x54: {  	_ =	swait.ge [sflag:s30], $0x4000  }
0x55: {  	[sflag:s30] =	ssyncset.done $0x0  }
0x56: {  	s13 =	rddreg [dreg:$0x7];
	[sflag:s30] =	ssyncadd.s32 $0xFFFFC000  }
0x57: {  	[spmem:s2] =	stream.indirect.scatter.add.f32 [tilespmem:s28], [sflag:$0x7], $0x80, s13, s24, $0xb8;
	[tilespmem:$0x1EC00] =	vst v63  }
0x58: {  	_ =	swait.ge [sflag:s18], $0x4000  }
0x59: {  	[sflag:s18] =	ssyncset.done $0x0  }
0x5a: {  	[sflag:s18] =	ssyncadd.s32 $0xFFFFC000  }
0x5b: {  	v1 =	vld [tilespmem:$0x180];
	_ =	sdelay $0x7  }
0x5c: {  	[tilespmem:v1+s19+$0x0] =	vst.idx.add.f32.msk $0xffff, v0  }
0x5d: {  	v1 =	vld [tilespmem:$0x190];
	_ =	sdelay $0x7  }
0x5e: {  	[tilespmem:v1+s19+$0x0] =	vst.idx.add.f32.msk $0xffff, v0  }
0x5f: {  	v1 =	vld [tilespmem:$0x1A0];
	_ =	sdelay $0x7  }
0x60: {  	[tilespmem:v1+s19+$0x0] =	vst.idx.add.f32.msk $0xffff, v0  }
0x61: {  	v1 =	vld [tilespmem:$0x1B0];
	_ =	sdelay $0x7  }
0x62: {  	[tilespmem:v1+s19+$0x0] =	vst.idx.add.f32.msk $0xffff, v0  }
0x63: {  	v1 =	vld [tilespmem:$0x1C0];
	_ =	sdelay $0x7  }
0x64: {  	[tilespmem:v1+s19+$0x0] =	vst.idx.add.f32.msk $0xffff, v0  }
0x65: {  	v1 =	vld [tilespmem:$0x1D0];
	_ =	sdelay $0x7  }
0x66: {  	[tilespmem:v1+s19+$0x0] =	vst.idx.add.f32.msk $0xffff, v0  }
0x67: {  	v1 =	vld [tilespmem:$0x1E0];
	_ =	sdelay $0x7  }
0x68: {  	[tilespmem:v1+s19+$0x0] =	vst.idx.add.f32.msk $0xffff, v0  }
0x69: {  	v1 =	vld [tilespmem:$0x1F0];
	_ =	sdelay $0x4  }
0x6a: {  	s11 =	sadd.s32 $0x5, s3  }
0x6b: {  	p0 =	sge.u32 s11, s7;
	s11 =	rddreg [dreg:$0x8]  }
0x6c: {  	s12 =	sadd.s32 @!p0 $0x400, s16;
	p2 =	sge.u32 s3, s11  }
0x6d: {  	s22 =	simm.s32 @!p0 $0x100;
	s13 =	simm.s32 @!p0 $0x0;
	s11 =	simm.s32 @!p2 $0x4;
	[tilespmem:v1+s19+$0x0] =	vst.idx.add.f32.msk $0xffff, v0  }
0x6e: {  	[tilespmem:s22], [sflag:$0x2] =	stream.linear.gather @!p0 [hbm4b:s12+s13], $0x100, $0x38;
	[tilespmem:$0x1EC00] =	vst v63  }
0x6f: {  	_ =	swait.ge @!p2 [sflag:s11], $0x100  }
0x70: {  	s12 =	simm.s32 @!p2 $0x300;
	[sflag:s11] =	ssyncset.done @!p2 $0x0  }
0x71: {  	s13 =	simm.s32 @!p2 $0x4400;
	[sflag:s11] =	ssyncadd.s32 @!p2 $0xFFFFFF00;
	s11 =	simm.s32 @!p2 $0x80  }
0x72: {  	[tilespmem:s13], [sflag:$0x6] =	stream.indirect.gather @!p2 [hbm4b:s1+s11], $0x80, s12, s11, $0xb8;
	[tilespmem:$0x1EC00] =	vst v63  }
0x73: {  	s12 =	simm.s32 @!p3 $0x5  }
0x74: {  	_ =	swait.ge @!p3 [sflag:s12], $0x4000  }
0x75: {  	[sflag:s12] =	ssyncset.done @!p3 $0x0  }
0x76: {  	[sflag:s12] =	ssyncadd.s32 @!p3 $0xFFFFC000;
	s12 =	simm.s32 @!p3 $0x280  }
0x77: {  	[spmem:s2] =	stream.indirect.scatter.add.f32 @!p3 [tilespmem:s10], [sflag:$0x7], $0x80, s12, s6, $0xb8;
	[tilespmem:$0x1EC00] =	vst v63  }
0x78: {  	s6 =	simm.s32 @!p3 $0x7  }
0x79: {  	_ =	swait.ge @!p3 [sflag:s6], $0x4000  }
0x7a: {  	[sflag:s6] =	ssyncset.done @!p3 $0x0  }
0x7b: {  	[sflag:s6] =	ssyncadd.s32 @!p3 $0xFFFFC000  }
0x7c: {  	v1 =	vld @!p3 [tilespmem:$0x280];
	_ =	sdelay $0x6  }
0x7d: {  	v2 =	vimm.f32 @!p3 $1.000000000e+00;
	s6 =	simm.s32 @!p3 $0x8400  }
0x7e: {  	[tilespmem:v1+s6+$0x0] =	vst.idx.add.f32.msk @!p3 $0xffff, v2  }
0x7f: {  	v1 =	vld @!p3 [tilespmem:$0x290];
	_ =	sdelay $0x7  }
0x80: {  	[tilespmem:v1+s6+$0x0] =	vst.idx.add.f32.msk @!p3 $0xffff, v2  }
0x81: {  	v1 =	vld @!p3 [tilespmem:$0x2A0];
	_ =	sdelay $0x7  }
0x82: {  	[tilespmem:v1+s6+$0x0] =	vst.idx.add.f32.msk @!p3 $0xffff, v2  }
0x83: {  	v1 =	vld @!p3 [tilespmem:$0x2B0];
	_ =	sdelay $0x7  }
0x84: {  	[tilespmem:v1+s6+$0x0] =	vst.idx.add.f32.msk @!p3 $0xffff, v2  }
0x85: {  	v1 =	vld @!p3 [tilespmem:$0x2C0];
	_ =	sdelay $0x7  }
0x86: {  	[tilespmem:v1+s6+$0x0] =	vst.idx.add.f32.msk @!p3 $0xffff, v2  }
0x87: {  	v1 =	vld @!p3 [tilespmem:$0x2D0];
	_ =	sdelay $0x7  }
0x88: {  	[tilespmem:v1+s6+$0x0] =	vst.idx.add.f32.msk @!p3 $0xffff, v2  }
0x89: {  	v1 =	vld @!p3 [tilespmem:$0x2E0];
	_ =	sdelay $0x7  }
0x8a: {  	[tilespmem:v1+s6+$0x0] =	vst.idx.add.f32.msk @!p3 $0xffff, v2  }
0x8b: {  	v1 =	vld @!p3 [tilespmem:$0x2F0];
	_ =	sdelay $0x5  }
0x8c: {  	s12 =	sadd.s32 $0x6, s3  }
0x8d: {  	p4 =	sge.u32 s12, s7  }
0x8e: {  	s10 =	simm.s32 @!p4 $0x0;
	s12 =	simm.s32 @!p4 $0x200;
	[tilespmem:v1+s6+$0x0] =	vst.idx.add.f32.msk @!p3 $0xffff, v2;
	s6 =	sadd.s32 @!p4 $0x800, s16  }
0x8f: {  	[tilespmem:s12], [sflag:$0x3] =	stream.linear.gather @!p4 [hbm4b:s6+s10], $0x100, $0x38;
	[tilespmem:$0x1EC00] =	vst v63  }
0x90: {  	s6 =	simm.s32 @!p1 $0x1  }
0x91: {  	_ =	swait.ge @!p1 [sflag:s6], $0x100  }
0x92: {  	[sflag:s6] =	ssyncset.done @!p1 $0x0  }
0x93: {  	s10 =	simm.s32 @!p1 $0x400;
	[sflag:s6] =	ssyncadd.s32 @!p1 $0xFFFFFF00;
	s6 =	simm.s32 @!p1 $0x80  }
0x94: {  	[tilespmem:s10], [sflag:$0x5] =	stream.indirect.gather @!p1 [hbm4b:s1+s6], $0x80, s5, s6, $0xb8;
	[tilespmem:$0x1EC00] =	vst v63  }
0x95: {  	s5 =	simm.s32 @!p2 $0x6  }
0x96: {  	_ =	swait.ge @!p2 [sflag:s5], $0x4000  }
0x97: {  	[sflag:s5] =	ssyncset.done @!p2 $0x0  }
0x98: {  	[sflag:s5] =	ssyncadd.s32 @!p2 $0xFFFFC000;
	s5 =	simm.s32 @!p2 $0x380  }
0x99: {  	[spmem:s2] =	stream.indirect.scatter.add.f32 @!p2 [tilespmem:s13], [sflag:$0x7], $0x80, s5, s11, $0xb8;
	[tilespmem:$0x1EC00] =	vst v63  }
0x9a: {  	s5 =	simm.s32 @!p2 $0x7  }
0x9b: {  	_ =	swait.ge @!p2 [sflag:s5], $0x4000  }
0x9c: {  	[sflag:s5] =	ssyncset.done @!p2 $0x0  }
0x9d: {  	[sflag:s5] =	ssyncadd.s32 @!p2 $0xFFFFC000  }
0x9e: {  	v1 =	vld @!p2 [tilespmem:$0x380];
	_ =	sdelay $0x6  }
0x9f: {  	v2 =	vimm.f32 @!p2 $1.000000000e+00;
	s5 =	simm.s32 @!p2 $0x8400  }
0xa0: {  	[tilespmem:v1+s5+$0x0] =	vst.idx.add.f32.msk @!p2 $0xffff, v2  }
0xa1: {  	v1 =	vld @!p2 [tilespmem:$0x390];
	_ =	sdelay $0x7  }
0xa2: {  	[tilespmem:v1+s5+$0x0] =	vst.idx.add.f32.msk @!p2 $0xffff, v2  }
0xa3: {  	v1 =	vld @!p2 [tilespmem:$0x3A0];
	_ =	sdelay $0x7  }
0xa4: {  	[tilespmem:v1+s5+$0x0] =	vst.idx.add.f32.msk @!p2 $0xffff, v2  }
0xa5: {  	v1 =	vld @!p2 [tilespmem:$0x3B0];
	_ =	sdelay $0x7  }
0xa6: {  	[tilespmem:v1+s5+$0x0] =	vst.idx.add.f32.msk @!p2 $0xffff, v2  }
0xa7: {  	v1 =	vld @!p2 [tilespmem:$0x3C0];
	_ =	sdelay $0x7  }
0xa8: {  	[tilespmem:v1+s5+$0x0] =	vst.idx.add.f32.msk @!p2 $0xffff, v2  }
0xa9: {  	v1 =	vld @!p2 [tilespmem:$0x3D0];
	_ =	sdelay $0x7  }
0xaa: {  	[tilespmem:v1+s5+$0x0] =	vst.idx.add.f32.msk @!p2 $0xffff, v2  }
0xab: {  	v1 =	vld @!p2 [tilespmem:$0x3E0];
	_ =	sdelay $0x7  }
0xac: {  	[tilespmem:v1+s5+$0x0] =	vst.idx.add.f32.msk @!p2 $0xffff, v2  }
0xad: {  	v1 =	vld @!p2 [tilespmem:$0x3F0];
	_ =	sdelay $0x5  }
0xae: {  	s13 =	sadd.s32 $0x7, s3  }
0xaf: {  	p1 =	sge.u32 s13, s7  }
0xb0: {  	s3 =	sadd.s32 @!p1 $0xC00, s16;
	s6 =	simm.s32 @!p1 $0x300;
	[tilespmem:v1+s5+$0x0] =	vst.idx.add.f32.msk @!p2 $0xffff, v2;
	s5 =	simm.s32 @!p1 $0x0  }
0xb1: {  	[tilespmem:s6], [sflag:$0x4] =	stream.linear.gather @!p1 [hbm4b:s3+s5], $0x100, $0x38;
	[tilespmem:$0x1EC00] =	vst v63  }
0xb2: {  	s3 =	simm.s32 @!p0 $0x2  }
0xb3: {  	_ =	swait.ge @!p0 [sflag:s3], $0x100  }
0xb4: {  	[sflag:s3] =	ssyncset.done @!p0 $0x0  }
0xb5: {  	s5 =	simm.s32 @!p0 $0x4400;
	[sflag:s3] =	ssyncadd.s32 @!p0 $0xFFFFFF00;
	s3 =	simm.s32 @!p0 $0x80  }
0xb6: {  	[tilespmem:s5], [sflag:$0x6] =	stream.indirect.gather @!p0 [hbm4b:s1+s3], $0x80, s22, s3, $0xb8;
	[tilespmem:$0x1EC00] =	vst v63  }
0xb7: {  	p0 =	sne.s32 s21, $0x50  }
.Ltmp0:
0xb8: {  	_ = 	snop;
	(pc) =	sbr.rel @p0 .LBB2_2-.Ltmp0, $2  }
0xb9: {  	_ =	sdelay $0x2  }
0xba: {  	s16 =	sadd.s32 $0x1000, s16;
	s3 =	smov.u32 s21  }
0xbb: {  	[bflag:$0x0] =	sbarrier.arrive $0xFFFF  }
0xbc: {  	s3 =	rddreg [dreg:$0xe]  }
0xbd: {  	[hbm:s3], [sflag:s9] =	dma.local [spmem:s17], $0x2800  }
0xbe: {  	s31 =	sadd.s32 $0x1, s31;
	_ =	swait.ge [sflag:s18], $0x2800  }
0xbf: {  	p0 =	sne.s32 s31, s15;
	[sflag:s18] =	ssyncset.done $0x0  }
.Ltmp1:
0xc0: {  	[sflag:s18] =	ssyncadd.s32 $0xFFFFD800;
	(pc) =	sbr.rel @p0 .LBB2_1-.Ltmp1, $4  }
0xc1: {  	[hbm4b:s14+s24] =	stream.strided.scatter [tilespmem:s19], [sflag:$0x7], $0x2800, s25, s24, $0x38;
	[tilespmem:$0x1EC00] =	vst v63  }
0xc2: {  	_ =	swait.ge [sflag:s18], $0x2800  }
0xc3: {  	[sflag:s18] =	ssyncset.done $0x0  }
0xc4: {  	[sflag:s18] =	ssyncadd.s32 $0xFFFFD800  }
0xc5: {  	_ =	sfence.sel $0x180000  }
0xc6: {  	[bflag:$0x0] =	sbarrier.arrive $0xFFFF  }
0xc7: {  	_ =	strace $0x90000047  }
0xc8: {  	s0 =	stileid.u32;
	[bflag:$0x2] =	sbarrier.arrive $0xFFFF  }
0xc9: {  	p0 =	sne.s32 s0, $0x0;
	s0 =	rddreg [dreg:$0x5]  }
0xca: {  	s0 =	sadd.s32 @!p0 $0x100000, s0  }
0xcb: {  	[sflag:s0] =	ssyncadd.tile.s32 @!p0 $0x1;
	_ =	shalt  }
.Lfunc_end2:
_tile_overlayer_lowered:
.L_overlay_start_2:
0xcc: {  	(tag) =	ssettag $0x2  }
0xcd: {  	s0 =	rddreg [dreg:$0x0];
	s2 =	stileid.u32  }
0xce: {  	s1 =	rddreg [dreg:$0x1];
	p0 =	sne.s32 s2, $0x0  }
0xcf: {  	s3 =	rddreg [dreg:$0x2];
	[bflag:$0x3] =	sbarrier.arrive $0xFFFF;
	s2 =	simm.s32 @!p0 $0x1C07  }
0xd0: {  	[timem:s3], [sflag:s2] =	dma.local @!p0 [hbm:s0], s1  }
0xd1: {  	s0 =	simm.s32 @!p0 $0x7  }
0xd2: {  	_ =	swait.ge @!p0 [sflag:s0], s1  }
0xd3: {  	s1 =	ssub.s32 @!p0 $0x0, s1;
	[sflag:s0] =	ssyncset.done @!p0 $0x0  }
0xd4: {  	[sflag:s0] =	ssyncadd.s32 @!p0 s1  }
0xd5: {  	[bflag:$0x3] =	sbarrier.arrive $0xFFFF  }
0xd6: {  	_ =	shalt  }

</sc_bundles>
